<compile_context>
chip_gen: v7x
topology: tpu7x:2x2x1
jax: 0.10.2.dev20260603
libtpu: 0.0.44.dev20260713+nightly
codegen_flags: <defaults>
</compile_context>

<pallas_src>
import jax
import jax.numpy as jnp
from jax import lax
from jax.experimental import pallas as pl
from jax.experimental.pallas import tpu as pltpu
from jax.experimental.pallas import tpu_sc as plsc

C = 1203
D = 256
N = 65536
TEMP = 0.07
CP = 1280
NC, NS = 2, 16
NW = NC * NS
ND = 4
DSUB = D // ND
NR = NW // ND
ROWS_R = N // NR
CHUNK = 64
NCH = ROWS_R // CHUNK
NBUF = 4
NEG = -1e30


def _sc_body(feats_hbm, labels_hbm, sums_hbm, cnt_hbm,
             labels_v, f0, f1, f2, f3, acc_v, cnt_v,
             sem0, sem1, sem2, sem3):
    cid = lax.axis_index("c")
    sid = lax.axis_index("s")
    wid = cid * NS + sid
    r = wid // ND
    d = wid % ND
    row0 = r * ROWS_R
    col0 = d * DSUB

    zero16 = jnp.zeros((16,), jnp.float32)
    ones16 = jnp.ones((16,), jnp.float32)
    lane = lax.iota(jnp.int32, 16)
    cols = [lane + k * 16 for k in range(DSUB // 16)]


    def dma_start(j, buf, sem):
        pltpu.async_copy(
            feats_hbm.at[pl.ds(row0 + j * CHUNK, CHUNK), pl.ds(col0, DSUB)],
            buf, sem)

    def dma_wait(buf, sem):
        pltpu.make_async_copy(
            feats_hbm.at[pl.ds(row0, CHUNK), pl.ds(col0, DSUB)],
            buf, sem).wait()

    def compute(j, buf):
        jbase = j * CHUNK

        @pl.when(d == 0)
        def _():
            @plsc.parallel_loop(0, CHUNK // 16, 1, unroll=2)
            def _cnt16(t):
                lv = labels_v[pl.ds(jbase + t * 16, 16)]
                plsc.addupdate_scatter(cnt_v, [lv, lane], ones16)

        @plsc.parallel_loop(0, CHUNK, 1, unroll=8)
        def _rows(i):
            ridx = jnp.full((16,), jbase + i, jnp.int32)
            bl = plsc.load_gather(labels_v, [ridx])
            for k in range(DSUB // 16):
                v = buf[i, pl.ds(k * 16, 16)]
                plsc.addupdate_scatter(acc_v, [bl, cols[k]], v)

    bufs = (f0, f1, f2, f3)
    sems = (sem0, sem1, sem2, sem3)
    for b in range(NBUF - 1):
        dma_start(b, bufs[b], sems[b])
    pltpu.sync_copy(labels_hbm.at[pl.ds(row0, ROWS_R)], labels_v)

    @plsc.parallel_loop(0, CP, 1, unroll=4)
    def _zero(i):
        for k in range(DSUB // 16):
            acc_v[i, pl.ds(k * 16, 16)] = zero16
        cnt_v[i, :] = zero16

    def outer(jj, c):
        j = jj * NBUF
        for b in range(NBUF):
            dma_wait(bufs[b], sems[b])
            nb = (b + NBUF - 1) % NBUF
            dma_start(jnp.minimum(j + b + NBUF - 1, NCH - 1), bufs[nb], sems[nb])
            compute(j + b, bufs[b])
        return c
    lax.fori_loop(0, NCH // NBUF, outer, 0)
    for b in range(NBUF - 1):
        dma_wait(bufs[b], sems[b])

    pltpu.sync_copy(acc_v, sums_hbm.at[r, :, pl.ds(col0, DSUB)])

    @pl.when(d == 0)
    def _():
        pltpu.sync_copy(cnt_v, cnt_hbm.at[r])


def _segment_sums(cls_feats, labels):
    mesh = plsc.VectorSubcoreMesh(core_axis_name="c", subcore_axis_name="s",
                                  num_cores=NC, num_subcores=NS)
    return pl.kernel(
        _sc_body,
        out_type=(jax.ShapeDtypeStruct((NR, CP, D), jnp.float32),
                  jax.ShapeDtypeStruct((NR, CP, 16), jnp.float32)),
        mesh=mesh,
        compiler_params=pltpu.CompilerParams(use_tc_tiling_on_sc=False,
                                             needs_layout_passes=False),
        scratch_types=[
            pltpu.VMEM((ROWS_R,), jnp.int32),
            pltpu.VMEM((CHUNK, DSUB), jnp.float32),
            pltpu.VMEM((CHUNK, DSUB), jnp.float32),
            pltpu.VMEM((CHUNK, DSUB), jnp.float32),
            pltpu.VMEM((CHUNK, DSUB), jnp.float32),
            pltpu.VMEM((CP, DSUB), jnp.float32),
            pltpu.VMEM((CP, 16), jnp.float32),
            pltpu.SemaphoreType.DMA,
            pltpu.SemaphoreType.DMA,
            pltpu.SemaphoreType.DMA,
            pltpu.SemaphoreType.DMA,
        ],
    )(cls_feats, labels)


def _tc_loss(sums_ref, cnt_ref, prot_ref, dp_ref, out_ref):
    sums = sums_ref[0]
    for i in range(1, NR):
        sums = sums + sums_ref[i]
    c16 = cnt_ref[0]
    for i in range(1, NR):
        c16 = c16 + cnt_ref[i]
    counts = jnp.sum(c16, axis=1, keepdims=True)
    present = counts > 0.0
    means = sums / jnp.maximum(counts, 1.0)
    delta = jnp.where(present, means, dp_ref[...])
    prot = prot_ref[...]
    an = prot / (jnp.sqrt(jnp.sum(prot * prot, axis=1, keepdims=True)) + 1e-8)
    bn = delta / (jnp.sqrt(jnp.sum(delta * delta, axis=1, keepdims=True)) + 1e-8)
    logits = lax.dot_general(an, bn, (((1,), (1,)), ((), ())),
                             preferred_element_type=jnp.float32) / TEMP
    col = lax.broadcasted_iota(jnp.int32, (CP, CP), 1)
    logits = jnp.where(col < C, logits, NEG)
    m = jnp.max(logits, axis=1, keepdims=True)
    lse = m + jnp.log(jnp.sum(jnp.exp(logits - m), axis=1, keepdims=True))
    row = lax.broadcasted_iota(jnp.int32, (CP, CP), 0)
    diag = jnp.sum(jnp.where(row == col, logits, 0.0), axis=1, keepdims=True)
    per_row = lse - diag
    pf = jnp.where(present, 1.0, 0.0)
    num = jnp.sum(per_row * pf, axis=(0, 1), keepdims=True)
    den = jnp.maximum(jnp.sum(pf, axis=(0, 1), keepdims=True), 1.0)
    out_ref[...] = num / den


def kernel(cls_feats, cls_targets, prototypes, delta_prototype):
    labels = cls_targets.reshape(N).astype(jnp.int32)
    sums8, cnt8 = _segment_sums(cls_feats, labels)
    prot_pad = jnp.pad(prototypes, ((0, CP - C), (0, 0)))
    dp_pad = jnp.pad(delta_prototype, ((0, CP - C), (0, 0)))
    loss = pl.pallas_call(
        _tc_loss,
        out_shape=jax.ShapeDtypeStruct((1, 1), jnp.float32),
    )(sums8, cnt8, prot_pad, dp_pad)
    return loss[0, 0]

# --- scband reference (transcript-rebuilt; emitter-appended) ---
"""Pipeline reference for scband-fcosprototype-47802986004642 (READ-ONLY COPY).

The authoritative reference and input builder live on the scoring server;
editing this copy changes nothing except your own understanding.
"""

import jax, jax.numpy as jnp
import numpy as np

CAT_NUMS = 1203
DIM = 256
N = 65536
TEMP = 0.07


def setup_inputs(seed: int = 0) -> dict:
    key = jax.random.key(seed)
    k1, k2, k3, k4 = jax.random.split(key, 4)
    cls_feats = jax.random.normal(k1, (N, DIM), dtype=jnp.float32)
    cls_targets = jax.random.randint(k2, (N, 1), 0, CAT_NUMS)  # int indices (int32 under default jax config)
    # learned parameter / buffer, torch.normal(0, 0.01, size=(cat_nums, dim))
    prototypes = 0.01 * jax.random.normal(k3, (CAT_NUMS, DIM), dtype=jnp.float32)
    delta_prototype = 0.01 * jax.random.normal(k4, (CAT_NUMS, DIM), dtype=jnp.float32)
    return {"cls_feats": cls_feats, "cls_targets": cls_targets, "prototypes": prototypes, "delta_prototype": delta_prototype}


def _info_nce_rowwise(a, b, t):
    # InfoNCELoss(t=0.07, reduction='none'): cross-entropy over cosine-similarity
    # logits with positives on the diagonal; returns per-row loss [C].
    an = a / (jnp.linalg.norm(a, axis=1, keepdims=True) + 1e-8)
    bn = b / (jnp.linalg.norm(b, axis=1, keepdims=True) + 1e-8)
    logits = (an @ bn.T) / t
    logp = jax.nn.log_softmax(logits, axis=1)
    return -jnp.diagonal(logp)


def reference(cls_feats, cls_targets, prototypes, delta_prototype):
    C = prototypes.shape[0]
    labels = cls_targets[:, 0]
    # update_mem_bank stores feat[cat_idx].detach(); the per-class mean is a
    # segment mean over detached features (scatter-add + count).
    feats = jax.lax.stop_gradient(cls_feats)
    sums = jax.ops.segment_sum(feats, labels, num_segments=C)
    counts = jax.ops.segment_sum(jnp.ones((feats.shape[0],), feats.dtype), labels, num_segments=C)
    present = counts > 0
    means = sums / jnp.maximum(counts, 1.0)[:, None]
    # delta_prototype[i] overwritten only for classes present in the batch
    delta = jnp.where(present[:, None], means, delta_prototype)
    per_row = _info_nce_rowwise(prototypes, delta, TEMP)
    # loss = contrast_loss(prototypes, delta)[not_None_idx].mean()
    pf = present.astype(per_row.dtype)
    loss = jnp.sum(per_row * pf) / jnp.maximum(jnp.sum(pf), 1.0)
    return loss

if __name__ == "__main__":
    import jax
    _d = setup_inputs()
    print(jax.jit(kernel)(*tuple(_d.values())))

</pallas_src>

<mosaic_0001>
#map = affine_map<(d0, d1) -> (0, 0)>
#map1 = affine_map<(d0, d1) -> (0)>
#map2 = affine_map<(d0, d1) -> (0, 0, 0)>
module attributes {stable_mosaic.version = 14 : i64} {
  func.func @_sc_body(%arg0: i32, %arg1: i32, %arg2: memref<65536x256xf32, #tpu.memory_space<hbm>>, %arg3: memref<65536xi32, #tpu.memory_space<hbm>>, %arg4: memref<8x1280x256xf32, #tpu.memory_space<hbm>>, %arg5: memref<8x1280x16xf32, #tpu.memory_space<hbm>>, %arg6: memref<8192xi32, #tpu.memory_space<vmem>>, %arg7: memref<64x64xf32, #tpu.memory_space<vmem>>, %arg8: memref<64x64xf32, #tpu.memory_space<vmem>>, %arg9: memref<64x64xf32, #tpu.memory_space<vmem>>, %arg10: memref<64x64xf32, #tpu.memory_space<vmem>>, %arg11: memref<1280x64xf32, #tpu.memory_space<vmem>>, %arg12: memref<1280x16xf32, #tpu.memory_space<vmem>>, %arg13: memref<!tpu.dma_semaphore, #tpu.memory_space<semaphore_mem>>, %arg14: memref<!tpu.dma_semaphore, #tpu.memory_space<semaphore_mem>>, %arg15: memref<!tpu.dma_semaphore, #tpu.memory_space<semaphore_mem>>, %arg16: memref<!tpu.dma_semaphore, #tpu.memory_space<semaphore_mem>>) attributes {dimension_semantics = [#tpu.dimension_semantics<core_parallel>, #tpu.dimension_semantics<subcore_parallel>], iteration_bounds = array<i64: 2, 16>, scalar_prefetch = 0 : i64, scratch_operands = 11 : i64, tpu.core_type = #tpu.core_type<sc_vector_subcore>, window_params = [{transform_indices = #map}, {transform_indices = #map1}, {transform_indices = #map2}, {transform_indices = #map2}]} {
    %mul3A = arith.constant 16 : i32
    %mul3A_0 = arith.muli %arg0, %mul3A : i32
    %add3A = arith.addi %mul3A_0, %arg1 : i32
    %jit3A = arith.constant 4 : i32
    %div3A = arith.divsi %add3A, %jit3A : i32
    %sign3A = arith.constant 0 : i32
    %sign3A_1 = arith.cmpi sgt, %add3A, %sign3A : i32
    %sign3A_2 = arith.extui %sign3A_1 : i1 to i32
    %sign3A_3 = arith.constant 0 : i32
    %sign3A_4 = arith.cmpi slt, %add3A, %sign3A_3 : i32
    %sign3A_5 = arith.extui %sign3A_4 : i1 to i32
    %sign3A_6 = arith.subi %sign3A_2, %sign3A_5 : i32
    %sign3A_7 = arith.constant 0 : i32
    %sign3A_8 = arith.cmpi sgt, %jit3A, %sign3A_7 : i32
    %sign3A_9 = arith.extui %sign3A_8 : i1 to i32
    %sign3A_10 = arith.constant 0 : i32
    %sign3A_11 = arith.cmpi slt, %jit3A, %sign3A_10 : i32
    %sign3A_12 = arith.extui %sign3A_11 : i1 to i32
    %sign3A_13 = arith.subi %sign3A_9, %sign3A_12 : i32
    %ne3A = arith.cmpi ne, %sign3A_6, %sign3A_13 : i32
    %rem3A = arith.remsi %add3A, %jit3A : i32
    %ne3A_14 = arith.constant 0 : i32
    %ne3A_15 = arith.cmpi ne, %rem3A, %ne3A_14 : i32
    %and3A = arith.andi %ne3A, %ne3A_15 : i1
    %sub3A = arith.constant 1 : i32
    %sub3A_16 = arith.subi %div3A, %sub3A : i32
    %select_n3A = arith.select %and3A, %sub3A_16, %div3A : i32
    %jit3A_17 = arith.constant 4 : i32
    %eq3A = arith.constant 0 : i32
    %eq3A_18 = arith.cmpi eq, %jit3A_17, %eq3A : i32
    %jit3A_19 = arith.constant 1 : i32
    %select_n3A_20 = arith.select %eq3A_18, %jit3A_19, %jit3A_17 : i32
    %rem3A_21 = arith.remsi %add3A, %select_n3A_20 : i32
    %ne3A_22 = arith.constant 0 : i32
    %ne3A_23 = arith.cmpi ne, %rem3A_21, %ne3A_22 : i32
    %lt3A = arith.constant 0 : i32
    %lt3A_24 = arith.cmpi slt, %rem3A_21, %lt3A : i32
    %lt3A_25 = arith.constant 0 : i32
    %lt3A_26 = arith.cmpi slt, %select_n3A_20, %lt3A_25 : i32
    %ne3A_27 = arith.xori %lt3A_24, %lt3A_26 : i1
    %and3A_28 = arith.andi %ne3A_27, %ne3A_23 : i1
    %add3A_29 = arith.addi %rem3A_21, %select_n3A_20 : i32
    %select_n3A_30 = arith.select %and3A_28, %add3A_29, %rem3A_21 : i32
    %mul3A_31 = arith.constant 8192 : i32
    %mul3A_32 = arith.muli %select_n3A, %mul3A_31 : i32
    %mul3A_33 = arith.constant 64 : i32
    %mul3A_34 = arith.muli %select_n3A_30, %mul3A_33 : i32
    %broadcast_in_dim3A = arith.constant 0.000000e+00 : f32
    %broadcast_in_dim3A_35 = vector.broadcast %broadcast_in_dim3A : f32 to vector<16xf32>
    %broadcast_in_dim3A_36 = arith.constant 1.000000e+00 : f32
    %broadcast_in_dim3A_37 = vector.broadcast %broadcast_in_dim3A_36 : f32 to vector<16xf32>
    %iota3A = tpu.iota {dimensions = array<i32: 0>} : vector<16xi32>
    %add3A_38 = arith.constant 0 : i32
    %add3A_39 = vector.broadcast %add3A_38 : i32 to vector<16xi32>
    %add3A_40 = arith.addi %iota3A, %add3A_39 : vector<16xi32>
    %add3A_41 = arith.constant 16 : i32
    %add3A_42 = vector.broadcast %add3A_41 : i32 to vector<16xi32>
    %add3A_43 = arith.addi %iota3A, %add3A_42 : vector<16xi32>
    %add3A_44 = arith.constant 32 : i32
    %add3A_45 = vector.broadcast %add3A_44 : i32 to vector<16xi32>
    %add3A_46 = arith.addi %iota3A, %add3A_45 : vector<16xi32>
    %add3A_47 = arith.constant 48 : i32
    %add3A_48 = vector.broadcast %add3A_47 : i32 to vector<16xi32>
    %add3A_49 = arith.addi %iota3A, %add3A_48 : vector<16xi32>
    %add3A_50 = arith.constant 0 : i32
    %add3A_51 = arith.addi %mul3A_32, %add3A_50 : i32
    %dma_start3A = tpu.memref_slice %arg2[%add3A_51, %mul3A_34] : memref<65536x256xf32, #tpu.memory_space<hbm>> -> memref<64x64xf32, #tpu.memory_space<hbm>>
    %dma_start3A_52 = tpu.memref_slice %arg2[%add3A_51, %mul3A_34] : memref<65536x256xf32, #tpu.memory_space<hbm>> -> memref<64x64xf32, #tpu.memory_space<hbm>>
    tpu.enqueue_dma source(%dma_start3A_52 : memref<64x64xf32, #tpu.memory_space<hbm>>) target(%arg7 : memref<64x64xf32, #tpu.memory_space<vmem>>) target_semaphore(%arg13 : memref<!tpu.dma_semaphore, #tpu.memory_space<semaphore_mem>>)
    %add3A_53 = arith.constant 64 : i32
    %add3A_54 = arith.addi %mul3A_32, %add3A_53 : i32
    %dma_start3A_55 = tpu.memref_slice %arg2[%add3A_54, %mul3A_34] : memref<65536x256xf32, #tpu.memory_space<hbm>> -> memref<64x64xf32, #tpu.memory_space<hbm>>
    %dma_start3A_56 = tpu.memref_slice %arg2[%add3A_54, %mul3A_34] : memref<65536x256xf32, #tpu.memory_space<hbm>> -> memref<64x64xf32, #tpu.memory_space<hbm>>
    tpu.enqueue_dma source(%dma_start3A_56 : memref<64x64xf32, #tpu.memory_space<hbm>>) target(%arg8 : memref<64x64xf32, #tpu.memory_space<vmem>>) target_semaphore(%arg14 : memref<!tpu.dma_semaphore, #tpu.memory_space<semaphore_mem>>)
    %add3A_57 = arith.constant 128 : i32
    %add3A_58 = arith.addi %mul3A_32, %add3A_57 : i32
    %dma_start3A_59 = tpu.memref_slice %arg2[%add3A_58, %mul3A_34] : memref<65536x256xf32, #tpu.memory_space<hbm>> -> memref<64x64xf32, #tpu.memory_space<hbm>>
    %dma_start3A_60 = tpu.memref_slice %arg2[%add3A_58, %mul3A_34] : memref<65536x256xf32, #tpu.memory_space<hbm>> -> memref<64x64xf32, #tpu.memory_space<hbm>>
    tpu.enqueue_dma source(%dma_start3A_60 : memref<64x64xf32, #tpu.memory_space<hbm>>) target(%arg9 : memref<64x64xf32, #tpu.memory_space<vmem>>) target_semaphore(%arg15 : memref<!tpu.dma_semaphore, #tpu.memory_space<semaphore_mem>>)
    "tpu.region"() ({
      %run_scoped3A = tpu.sem_alloc : memref<!tpu.dma_semaphore, #tpu.memory_space<semaphore_mem>>
      %dma_start3A_76 = tpu.memref_slice %arg3[%mul3A_32] : memref<65536xi32, #tpu.memory_space<hbm>> -> memref<8192xi32, #tpu.memory_space<hbm>>
      %dma_start3A_77 = tpu.memref_slice %arg3[%mul3A_32] : memref<65536xi32, #tpu.memory_space<hbm>> -> memref<8192xi32, #tpu.memory_space<hbm>>
      tpu.enqueue_dma source(%dma_start3A_77 : memref<8192xi32, #tpu.memory_space<hbm>>) target(%arg6 : memref<8192xi32, #tpu.memory_space<vmem>>) target_semaphore(%run_scoped3A : memref<!tpu.dma_semaphore, #tpu.memory_space<semaphore_mem>>)
      %dma_wait3A_78 = tpu.memref_slice %arg3[%mul3A_32] : memref<65536xi32, #tpu.memory_space<hbm>> -> memref<8192xi32, #tpu.memory_space<hbm>>
      %dma_wait3A_79 = tpu.memref_slice %arg3[%mul3A_32] : memref<65536xi32, #tpu.memory_space<hbm>> -> memref<8192xi32, #tpu.memory_space<hbm>>
      tpu.wait_dma2 semaphore(%run_scoped3A : memref<!tpu.dma_semaphore, #tpu.memory_space<semaphore_mem>>) src(%dma_wait3A_79 : memref<8192xi32, #tpu.memory_space<hbm>>) dst(%arg6 : memref<8192xi32, #tpu.memory_space<vmem>>)
      tpu.yield
    }) : () -> ()
    %parallel_loop3A = arith.constant 0 : i32
    %parallel_loop3A_61 = arith.constant 1280 : i32
    %parallel_loop3A_62 = arith.constant 1 : i32
    scf.for %parallel_loop3A_76 = %parallel_loop3A to %parallel_loop3A_61 step %parallel_loop3A_62  : i32 {
      %parallel_loop3A_77 = arith.index_cast %parallel_loop3A_76 : i32 to index
      %parallel_loop3A_78 = arith.constant 0 : index
      %parallel_loop3A_79 = tpu.vector_load %arg11[%parallel_loop3A_77, %parallel_loop3A_78] {strides = array<i32>} : memref<1280x64xf32, #tpu.memory_space<vmem>>, vector<16xf32>,
      tpu.vector_store %arg11[%parallel_loop3A_77, %parallel_loop3A_78], %broadcast_in_dim3A_35 {strides = array<i32>} : memref<1280x64xf32, #tpu.memory_space<vmem>>, vector<16xf32>,
      %parallel_loop3A_80 = arith.index_cast %parallel_loop3A_76 : i32 to index
      %parallel_loop3A_81 = arith.constant 16 : index
      %parallel_loop3A_82 = tpu.vector_load %arg11[%parallel_loop3A_80, %parallel_loop3A_81] {strides = array<i32>} : memref<1280x64xf32, #tpu.memory_space<vmem>>, vector<16xf32>,
      tpu.vector_store %arg11[%parallel_loop3A_80, %parallel_loop3A_81], %broadcast_in_dim3A_35 {strides = array<i32>} : memref<1280x64xf32, #tpu.memory_space<vmem>>, vector<16xf32>,
      %parallel_loop3A_83 = arith.index_cast %parallel_loop3A_76 : i32 to index
      %parallel_loop3A_84 = arith.constant 32 : index
      %parallel_loop3A_85 = tpu.vector_load %arg11[%parallel_loop3A_83, %parallel_loop3A_84] {strides = array<i32>} : memref<1280x64xf32, #tpu.memory_space<vmem>>, vector<16xf32>,
      tpu.vector_store %arg11[%parallel_loop3A_83, %parallel_loop3A_84], %broadcast_in_dim3A_35 {strides = array<i32>} : memref<1280x64xf32, #tpu.memory_space<vmem>>, vector<16xf32>,
      %parallel_loop3A_86 = arith.index_cast %parallel_loop3A_76 : i32 to index
      %parallel_loop3A_87 = arith.constant 48 : index
      %parallel_loop3A_88 = tpu.vector_load %arg11[%parallel_loop3A_86, %parallel_loop3A_87] {strides = array<i32>} : memref<1280x64xf32, #tpu.memory_space<vmem>>, vector<16xf32>,
      tpu.vector_store %arg11[%parallel_loop3A_86, %parallel_loop3A_87], %broadcast_in_dim3A_35 {strides = array<i32>} : memref<1280x64xf32, #tpu.memory_space<vmem>>, vector<16xf32>,
      %parallel_loop3A_89 = arith.index_cast %parallel_loop3A_76 : i32 to index
      %parallel_loop3A_90 = arith.constant 0 : index
      %parallel_loop3A_91 = tpu.vector_load %arg12[%parallel_loop3A_89, %parallel_loop3A_90] {strides = array<i32>} : memref<1280x16xf32, #tpu.memory_space<vmem>>, vector<16xf32>,
      tpu.vector_store %arg12[%parallel_loop3A_89, %parallel_loop3A_90], %broadcast_in_dim3A_35 {strides = array<i32>} : memref<1280x16xf32, #tpu.memory_space<vmem>>, vector<16xf32>,
    } {sc.loop_unroll_factor = 4 : i64, sc.parallel_access}
    %scan3A = arith.constant 0 : i32
    %scan3A_63 = arith.constant 0 : i32
    %scan3A_64 = arith.constant 32 : i32
    %scan3A_65 = arith.addi %scan3A_63, %scan3A_64 : i32
    %scan3A_66 = arith.constant 1 : i32
    scf.for %scan3A_76 = %scan3A_63 to %scan3A_65 step %scan3A_66  : i32 {
      %mul3A_77 = arith.constant 4 : i32
      %mul3A_78 = arith.muli %scan3A_76, %mul3A_77 : i32
      %dma_wait3A_79 = tpu.memref_slice %arg2[%mul3A_32, %mul3A_34] : memref<65536x256xf32, #tpu.memory_space<hbm>> -> memref<64x64xf32, #tpu.memory_space<hbm>>
      %dma_wait3A_80 = tpu.memref_slice %arg2[%mul3A_32, %mul3A_34] : memref<65536x256xf32, #tpu.memory_space<hbm>> -> memref<64x64xf32, #tpu.memory_space<hbm>>
      tpu.wait_dma2 semaphore(%arg13 : memref<!tpu.dma_semaphore, #tpu.memory_space<semaphore_mem>>) src(%dma_wait3A_80 : memref<64x64xf32, #tpu.memory_space<hbm>>) dst(%arg7 : memref<64x64xf32, #tpu.memory_space<vmem>>)
      %add3A_81 = arith.constant 0 : i32
      %add3A_82 = arith.addi %mul3A_78, %add3A_81 : i32
      %add3A_83 = arith.constant 4 : i32
      %add3A_84 = arith.addi %add3A_82, %add3A_83 : i32
      %sub3A_85 = arith.constant 1 : i32
      %sub3A_86 = arith.subi %add3A_84, %sub3A_85 : i32
      %min3A = arith.constant 127 : i32
      %min3A_87 = arith.minsi %sub3A_86, %min3A : i32
      %mul3A_88 = arith.constant 64 : i32
      %mul3A_89 = arith.muli %min3A_87, %mul3A_88 : i32
      %add3A_90 = arith.addi %mul3A_32, %mul3A_89 : i32
      %dma_start3A_91 = tpu.memref_slice %arg2[%add3A_90, %mul3A_34] : memref<65536x256xf32, #tpu.memory_space<hbm>> -> memref<64x64xf32, #tpu.memory_space<hbm>>
      %dma_start3A_92 = tpu.memref_slice %arg2[%add3A_90, %mul3A_34] : memref<65536x256xf32, #tpu.memory_space<hbm>> -> memref<64x64xf32, #tpu.memory_space<hbm>>
      tpu.enqueue_dma source(%dma_start3A_92 : memref<64x64xf32, #tpu.memory_space<hbm>>) target(%arg10 : memref<64x64xf32, #tpu.memory_space<vmem>>) target_semaphore(%arg16 : memref<!tpu.dma_semaphore, #tpu.memory_space<semaphore_mem>>)
      %add3A_93 = arith.constant 0 : i32
      %add3A_94 = arith.addi %mul3A_78, %add3A_93 : i32
      %mul3A_95 = arith.constant 64 : i32
      %mul3A_96 = arith.muli %add3A_94, %mul3A_95 : i32
      %eq3A_97 = arith.constant 0 : i32
      %eq3A_98 = arith.cmpi eq, %select_n3A_30, %eq3A_97 : i32
      %convert_element_type3A_99 = arith.extui %eq3A_98 : i1 to i32
      %cond3A_100 = arith.constant 0 : i32
      %cond3A_101 = arith.cmpi ne, %convert_element_type3A_99, %cond3A_100 : i32
      scf.if %cond3A_101 {
        %parallel_loop3A_186 = arith.constant 0 : i32
        %parallel_loop3A_187 = arith.constant 4 : i32
        %parallel_loop3A_188 = arith.constant 1 : i32
        scf.for %parallel_loop3A_189 = %parallel_loop3A_186 to %parallel_loop3A_187 step %parallel_loop3A_188  : i32 {
          %parallel_loop3A_190 = arith.constant 16 : i32
          %parallel_loop3A_191 = arith.muli %parallel_loop3A_189, %parallel_loop3A_190 : i32
          %parallel_loop3A_192 = arith.addi %mul3A_96, %parallel_loop3A_191 : i32
          %parallel_loop3A_193 = arith.index_cast %parallel_loop3A_192 : i32 to index
          %parallel_loop3A_194 = tpu.vector_load %arg6[%parallel_loop3A_193] {strides = array<i32>} : memref<8192xi32, #tpu.memory_space<vmem>>, vector<16xi32>,
          tpu.vector_store_idx %arg12[%parallel_loop3A_194, %iota3A], %broadcast_in_dim3A_37 {add = true} : memref<1280x16xf32, #tpu.memory_space<vmem>>[vector<16xi32>, vector<16xi32>], vector<16xf32>,
        } {sc.loop_unroll_factor = 2 : i64, sc.parallel_access}
      } else {
      }
      %parallel_loop3A_102 = arith.constant 0 : i32
      %parallel_loop3A_103 = arith.constant 64 : i32
      %parallel_loop3A_104 = arith.constant 1 : i32
      scf.for %parallel_loop3A_186 = %parallel_loop3A_102 to %parallel_loop3A_103 step %parallel_loop3A_104  : i32 {
        %parallel_loop3A_187 = arith.addi %mul3A_96, %parallel_loop3A_186 : i32
        %parallel_loop3A_188 = vector.broadcast %parallel_loop3A_187 : i32 to vector<16xi32>
        %parallel_loop3A_189 = tpu.vector_load_idx %arg6[%parallel_loop3A_188] : memref<8192xi32, #tpu.memory_space<vmem>>[vector<16xi32>], vector<16xi32>,
        %parallel_loop3A_190 = arith.index_cast %parallel_loop3A_186 : i32 to index
        %parallel_loop3A_191 = arith.constant 0 : index
        %parallel_loop3A_192 = tpu.vector_load %arg7[%parallel_loop3A_190, %parallel_loop3A_191] {strides = array<i32>} : memref<64x64xf32, #tpu.memory_space<vmem>>, vector<16xf32>,
        tpu.vector_store_idx %arg11[%parallel_loop3A_189, %add3A_40], %parallel_loop3A_192 {add = true} : memref<1280x64xf32, #tpu.memory_space<vmem>>[vector<16xi32>, vector<16xi32>], vector<16xf32>,
        %parallel_loop3A_193 = arith.index_cast %parallel_loop3A_186 : i32 to index
        %parallel_loop3A_194 = arith.constant 16 : index
        %parallel_loop3A_195 = tpu.vector_load %arg7[%parallel_loop3A_193, %parallel_loop3A_194] {strides = array<i32>} : memref<64x64xf32, #tpu.memory_space<vmem>>, vector<16xf32>,
        tpu.vector_store_idx %arg11[%parallel_loop3A_189, %add3A_43], %parallel_loop3A_195 {add = true} : memref<1280x64xf32, #tpu.memory_space<vmem>>[vector<16xi32>, vector<16xi32>], vector<16xf32>,
        %parallel_loop3A_196 = arith.index_cast %parallel_loop3A_186 : i32 to index
        %parallel_loop3A_197 = arith.constant 32 : index
        %parallel_loop3A_198 = tpu.vector_load %arg7[%parallel_loop3A_196, %parallel_loop3A_197] {strides = array<i32>} : memref<64x64xf32, #tpu.memory_space<vmem>>, vector<16xf32>,
        tpu.vector_store_idx %arg11[%parallel_loop3A_189, %add3A_46], %parallel_loop3A_198 {add = true} : memref<1280x64xf32, #tpu.memory_space<vmem>>[vector<16xi32>, vector<16xi32>], vector<16xf32>,
        %parallel_loop3A_199 = arith.index_cast %parallel_loop3A_186 : i32 to index
        %parallel_loop3A_200 = arith.constant 48 : index
        %parallel_loop3A_201 = tpu.vector_load %arg7[%parallel_loop3A_199, %parallel_loop3A_200] {strides = array<i32>} : memref<64x64xf32, #tpu.memory_space<vmem>>, vector<16xf32>,
        tpu.vector_store_idx %arg11[%parallel_loop3A_189, %add3A_49], %parallel_loop3A_201 {add = true} : memref<1280x64xf32, #tpu.memory_space<vmem>>[vector<16xi32>, vector<16xi32>], vector<16xf32>,
      } {sc.loop_unroll_factor = 8 : i64, sc.parallel_access}
      %dma_wait3A_105 = tpu.memref_slice %arg2[%mul3A_32, %mul3A_34] : memref<65536x256xf32, #tpu.memory_space<hbm>> -> memref<64x64xf32, #tpu.memory_space<hbm>>
      %dma_wait3A_106 = tpu.memref_slice %arg2[%mul3A_32, %mul3A_34] : memref<65536x256xf32, #tpu.memory_space<hbm>> -> memref<64x64xf32, #tpu.memory_space<hbm>>
      tpu.wait_dma2 semaphore(%arg14 : memref<!tpu.dma_semaphore, #tpu.memory_space<semaphore_mem>>) src(%dma_wait3A_106 : memref<64x64xf32, #tpu.memory_space<hbm>>) dst(%arg8 : memref<64x64xf32, #tpu.memory_space<vmem>>)
      %add3A_107 = arith.constant 1 : i32
      %add3A_108 = arith.addi %mul3A_78, %add3A_107 : i32
      %add3A_109 = arith.constant 4 : i32
      %add3A_110 = arith.addi %add3A_108, %add3A_109 : i32
      %sub3A_111 = arith.constant 1 : i32
      %sub3A_112 = arith.subi %add3A_110, %sub3A_111 : i32
      %min3A_113 = arith.constant 127 : i32
      %min3A_114 = arith.minsi %sub3A_112, %min3A_113 : i32
      %mul3A_115 = arith.constant 64 : i32
      %mul3A_116 = arith.muli %min3A_114, %mul3A_115 : i32
      %add3A_117 = arith.addi %mul3A_32, %mul3A_116 : i32
      %dma_start3A_118 = tpu.memref_slice %arg2[%add3A_117, %mul3A_34] : memref<65536x256xf32, #tpu.memory_space<hbm>> -> memref<64x64xf32, #tpu.memory_space<hbm>>
      %dma_start3A_119 = tpu.memref_slice %arg2[%add3A_117, %mul3A_34] : memref<65536x256xf32, #tpu.memory_space<hbm>> -> memref<64x64xf32, #tpu.memory_space<hbm>>
      tpu.enqueue_dma source(%dma_start3A_119 : memref<64x64xf32, #tpu.memory_space<hbm>>) target(%arg7 : memref<64x64xf32, #tpu.memory_space<vmem>>) target_semaphore(%arg13 : memref<!tpu.dma_semaphore, #tpu.memory_space<semaphore_mem>>)
      %add3A_120 = arith.constant 1 : i32
      %add3A_121 = arith.addi %mul3A_78, %add3A_120 : i32
      %mul3A_122 = arith.constant 64 : i32
      %mul3A_123 = arith.muli %add3A_121, %mul3A_122 : i32
      %eq3A_124 = arith.constant 0 : i32
      %eq3A_125 = arith.cmpi eq, %select_n3A_30, %eq3A_124 : i32
      %convert_element_type3A_126 = arith.extui %eq3A_125 : i1 to i32
      %cond3A_127 = arith.constant 0 : i32
      %cond3A_128 = arith.cmpi ne, %convert_element_type3A_126, %cond3A_127 : i32
      scf.if %cond3A_128 {
        %parallel_loop3A_186 = arith.constant 0 : i32
        %parallel_loop3A_187 = arith.constant 4 : i32
        %parallel_loop3A_188 = arith.constant 1 : i32
        scf.for %parallel_loop3A_189 = %parallel_loop3A_186 to %parallel_loop3A_187 step %parallel_loop3A_188  : i32 {
          %parallel_loop3A_190 = arith.constant 16 : i32
          %parallel_loop3A_191 = arith.muli %parallel_loop3A_189, %parallel_loop3A_190 : i32
          %parallel_loop3A_192 = arith.addi %mul3A_123, %parallel_loop3A_191 : i32
          %parallel_loop3A_193 = arith.index_cast %parallel_loop3A_192 : i32 to index
          %parallel_loop3A_194 = tpu.vector_load %arg6[%parallel_loop3A_193] {strides = array<i32>} : memref<8192xi32, #tpu.memory_space<vmem>>, vector<16xi32>,
          tpu.vector_store_idx %arg12[%parallel_loop3A_194, %iota3A], %broadcast_in_dim3A_37 {add = true} : memref<1280x16xf32, #tpu.memory_space<vmem>>[vector<16xi32>, vector<16xi32>], vector<16xf32>,
        } {sc.loop_unroll_factor = 2 : i64, sc.parallel_access}
      } else {
      }
      %parallel_loop3A_129 = arith.constant 0 : i32
      %parallel_loop3A_130 = arith.constant 64 : i32
      %parallel_loop3A_131 = arith.constant 1 : i32
      scf.for %parallel_loop3A_186 = %parallel_loop3A_129 to %parallel_loop3A_130 step %parallel_loop3A_131  : i32 {
        %parallel_loop3A_187 = arith.addi %mul3A_123, %parallel_loop3A_186 : i32
        %parallel_loop3A_188 = vector.broadcast %parallel_loop3A_187 : i32 to vector<16xi32>
        %parallel_loop3A_189 = tpu.vector_load_idx %arg6[%parallel_loop3A_188] : memref<8192xi32, #tpu.memory_space<vmem>>[vector<16xi32>], vector<16xi32>,
        %parallel_loop3A_190 = arith.index_cast %parallel_loop3A_186 : i32 to index
        %parallel_loop3A_191 = arith.constant 0 : index
        %parallel_loop3A_192 = tpu.vector_load %arg8[%parallel_loop3A_190, %parallel_loop3A_191] {strides = array<i32>} : memref<64x64xf32, #tpu.memory_space<vmem>>, vector<16xf32>,
        tpu.vector_store_idx %arg11[%parallel_loop3A_189, %add3A_40], %parallel_loop3A_192 {add = true} : memref<1280x64xf32, #tpu.memory_space<vmem>>[vector<16xi32>, vector<16xi32>], vector<16xf32>,
        %parallel_loop3A_193 = arith.index_cast %parallel_loop3A_186 : i32 to index
        %parallel_loop3A_194 = arith.constant 16 : index
        %parallel_loop3A_195 = tpu.vector_load %arg8[%parallel_loop3A_193, %parallel_loop3A_194] {strides = array<i32>} : memref<64x64xf32, #tpu.memory_space<vmem>>, vector<16xf32>,
        tpu.vector_store_idx %arg11[%parallel_loop3A_189, %add3A_43], %parallel_loop3A_195 {add = true} : memref<1280x64xf32, #tpu.memory_space<vmem>>[vector<16xi32>, vector<16xi32>], vector<16xf32>,
        %parallel_loop3A_196 = arith.index_cast %parallel_loop3A_186 : i32 to index
        %parallel_loop3A_197 = arith.constant 32 : index
        %parallel_loop3A_198 = tpu.vector_load %arg8[%parallel_loop3A_196, %parallel_loop3A_197] {strides = array<i32>} : memref<64x64xf32, #tpu.memory_space<vmem>>, vector<16xf32>,
        tpu.vector_store_idx %arg11[%parallel_loop3A_189, %add3A_46], %parallel_loop3A_198 {add = true} : memref<1280x64xf32, #tpu.memory_space<vmem>>[vector<16xi32>, vector<16xi32>], vector<16xf32>,
        %parallel_loop3A_199 = arith.index_cast %parallel_loop3A_186 : i32 to index
        %parallel_loop3A_200 = arith.constant 48 : index
        %parallel_loop3A_201 = tpu.vector_load %arg8[%parallel_loop3A_199, %parallel_loop3A_200] {strides = array<i32>} : memref<64x64xf32, #tpu.memory_space<vmem>>, vector<16xf32>,
        tpu.vector_store_idx %arg11[%parallel_loop3A_189, %add3A_49], %parallel_loop3A_201 {add = true} : memref<1280x64xf32, #tpu.memory_space<vmem>>[vector<16xi32>, vector<16xi32>], vector<16xf32>,
      } {sc.loop_unroll_factor = 8 : i64, sc.parallel_access}
      %dma_wait3A_132 = tpu.memref_slice %arg2[%mul3A_32, %mul3A_34] : memref<65536x256xf32, #tpu.memory_space<hbm>> -> memref<64x64xf32, #tpu.memory_space<hbm>>
      %dma_wait3A_133 = tpu.memref_slice %arg2[%mul3A_32, %mul3A_34] : memref<65536x256xf32, #tpu.memory_space<hbm>> -> memref<64x64xf32, #tpu.memory_space<hbm>>
      tpu.wait_dma2 semaphore(%arg15 : memref<!tpu.dma_semaphore, #tpu.memory_space<semaphore_mem>>) src(%dma_wait3A_133 : memref<64x64xf32, #tpu.memory_space<hbm>>) dst(%arg9 : memref<64x64xf32, #tpu.memory_space<vmem>>)
      %add3A_134 = arith.constant 2 : i32
      %add3A_135 = arith.addi %mul3A_78, %add3A_134 : i32
      %add3A_136 = arith.constant 4 : i32
      %add3A_137 = arith.addi %add3A_135, %add3A_136 : i32
      %sub3A_138 = arith.constant 1 : i32
      %sub3A_139 = arith.subi %add3A_137, %sub3A_138 : i32
      %min3A_140 = arith.constant 127 : i32
      %min3A_141 = arith.minsi %sub3A_139, %min3A_140 : i32
      %mul3A_142 = arith.constant 64 : i32
      %mul3A_143 = arith.muli %min3A_141, %mul3A_142 : i32
      %add3A_144 = arith.addi %mul3A_32, %mul3A_143 : i32
      %dma_start3A_145 = tpu.memref_slice %arg2[%add3A_144, %mul3A_34] : memref<65536x256xf32, #tpu.memory_space<hbm>> -> memref<64x64xf32, #tpu.memory_space<hbm>>
      %dma_start3A_146 = tpu.memref_slice %arg2[%add3A_144, %mul3A_34] : memref<65536x256xf32, #tpu.memory_space<hbm>> -> memref<64x64xf32, #tpu.memory_space<hbm>>
      tpu.enqueue_dma source(%dma_start3A_146 : memref<64x64xf32, #tpu.memory_space<hbm>>) target(%arg8 : memref<64x64xf32, #tpu.memory_space<vmem>>) target_semaphore(%arg14 : memref<!tpu.dma_semaphore, #tpu.memory_space<semaphore_mem>>)
      %add3A_147 = arith.constant 2 : i32
      %add3A_148 = arith.addi %mul3A_78, %add3A_147 : i32
      %mul3A_149 = arith.constant 64 : i32
      %mul3A_150 = arith.muli %add3A_148, %mul3A_149 : i32
      %eq3A_151 = arith.constant 0 : i32
      %eq3A_152 = arith.cmpi eq, %select_n3A_30, %eq3A_151 : i32
      %convert_element_type3A_153 = arith.extui %eq3A_152 : i1 to i32
      %cond3A_154 = arith.constant 0 : i32
      %cond3A_155 = arith.cmpi ne, %convert_element_type3A_153, %cond3A_154 : i32
      scf.if %cond3A_155 {
        %parallel_loop3A_186 = arith.constant 0 : i32
        %parallel_loop3A_187 = arith.constant 4 : i32
        %parallel_loop3A_188 = arith.constant 1 : i32
        scf.for %parallel_loop3A_189 = %parallel_loop3A_186 to %parallel_loop3A_187 step %parallel_loop3A_188  : i32 {
          %parallel_loop3A_190 = arith.constant 16 : i32
          %parallel_loop3A_191 = arith.muli %parallel_loop3A_189, %parallel_loop3A_190 : i32
          %parallel_loop3A_192 = arith.addi %mul3A_150, %parallel_loop3A_191 : i32
          %parallel_loop3A_193 = arith.index_cast %parallel_loop3A_192 : i32 to index
          %parallel_loop3A_194 = tpu.vector_load %arg6[%parallel_loop3A_193] {strides = array<i32>} : memref<8192xi32, #tpu.memory_space<vmem>>, vector<16xi32>,
          tpu.vector_store_idx %arg12[%parallel_loop3A_194, %iota3A], %broadcast_in_dim3A_37 {add = true} : memref<1280x16xf32, #tpu.memory_space<vmem>>[vector<16xi32>, vector<16xi32>], vector<16xf32>,
        } {sc.loop_unroll_factor = 2 : i64, sc.parallel_access}
      } else {
      }
      %parallel_loop3A_156 = arith.constant 0 : i32
      %parallel_loop3A_157 = arith.constant 64 : i32
      %parallel_loop3A_158 = arith.constant 1 : i32
      scf.for %parallel_loop3A_186 = %parallel_loop3A_156 to %parallel_loop3A_157 step %parallel_loop3A_158  : i32 {
        %parallel_loop3A_187 = arith.addi %mul3A_150, %parallel_loop3A_186 : i32
        %parallel_loop3A_188 = vector.broadcast %parallel_loop3A_187 : i32 to vector<16xi32>
        %parallel_loop3A_189 = tpu.vector_load_idx %arg6[%parallel_loop3A_188] : memref<8192xi32, #tpu.memory_space<vmem>>[vector<16xi32>], vector<16xi32>,
        %parallel_loop3A_190 = arith.index_cast %parallel_loop3A_186 : i32 to index
        %parallel_loop3A_191 = arith.constant 0 : index
        %parallel_loop3A_192 = tpu.vector_load %arg9[%parallel_loop3A_190, %parallel_loop3A_191] {strides = array<i32>} : memref<64x64xf32, #tpu.memory_space<vmem>>, vector<16xf32>,
        tpu.vector_store_idx %arg11[%parallel_loop3A_189, %add3A_40], %parallel_loop3A_192 {add = true} : memref<1280x64xf32, #tpu.memory_space<vmem>>[vector<16xi32>, vector<16xi32>], vector<16xf32>,
        %parallel_loop3A_193 = arith.index_cast %parallel_loop3A_186 : i32 to index
        %parallel_loop3A_194 = arith.constant 16 : index
        %parallel_loop3A_195 = tpu.vector_load %arg9[%parallel_loop3A_193, %parallel_loop3A_194] {strides = array<i32>} : memref<64x64xf32, #tpu.memory_space<vmem>>, vector<16xf32>,
        tpu.vector_store_idx %arg11[%parallel_loop3A_189, %add3A_43], %parallel_loop3A_195 {add = true} : memref<1280x64xf32, #tpu.memory_space<vmem>>[vector<16xi32>, vector<16xi32>], vector<16xf32>,
        %parallel_loop3A_196 = arith.index_cast %parallel_loop3A_186 : i32 to index
        %parallel_loop3A_197 = arith.constant 32 : index
        %parallel_loop3A_198 = tpu.vector_load %arg9[%parallel_loop3A_196, %parallel_loop3A_197] {strides = array<i32>} : memref<64x64xf32, #tpu.memory_space<vmem>>, vector<16xf32>,
        tpu.vector_store_idx %arg11[%parallel_loop3A_189, %add3A_46], %parallel_loop3A_198 {add = true} : memref<1280x64xf32, #tpu.memory_space<vmem>>[vector<16xi32>, vector<16xi32>], vector<16xf32>,
        %parallel_loop3A_199 = arith.index_cast %parallel_loop3A_186 : i32 to index
        %parallel_loop3A_200 = arith.constant 48 : index
        %parallel_loop3A_201 = tpu.vector_load %arg9[%parallel_loop3A_199, %parallel_loop3A_200] {strides = array<i32>} : memref<64x64xf32, #tpu.memory_space<vmem>>, vector<16xf32>,
        tpu.vector_store_idx %arg11[%parallel_loop3A_189, %add3A_49], %parallel_loop3A_201 {add = true} : memref<1280x64xf32, #tpu.memory_space<vmem>>[vector<16xi32>, vector<16xi32>], vector<16xf32>,
      } {sc.loop_unroll_factor = 8 : i64, sc.parallel_access}
      %dma_wait3A_159 = tpu.memref_slice %arg2[%mul3A_32, %mul3A_34] : memref<65536x256xf32, #tpu.memory_space<hbm>> -> memref<64x64xf32, #tpu.memory_space<hbm>>
      %dma_wait3A_160 = tpu.memref_slice %arg2[%mul3A_32, %mul3A_34] : memref<65536x256xf32, #tpu.memory_space<hbm>> -> memref<64x64xf32, #tpu.memory_space<hbm>>
      tpu.wait_dma2 semaphore(%arg16 : memref<!tpu.dma_semaphore, #tpu.memory_space<semaphore_mem>>) src(%dma_wait3A_160 : memref<64x64xf32, #tpu.memory_space<hbm>>) dst(%arg10 : memref<64x64xf32, #tpu.memory_space<vmem>>)
      %add3A_161 = arith.constant 3 : i32
      %add3A_162 = arith.addi %mul3A_78, %add3A_161 : i32
      %add3A_163 = arith.constant 4 : i32
      %add3A_164 = arith.addi %add3A_162, %add3A_163 : i32
      %sub3A_165 = arith.constant 1 : i32
      %sub3A_166 = arith.subi %add3A_164, %sub3A_165 : i32
      %min3A_167 = arith.constant 127 : i32
      %min3A_168 = arith.minsi %sub3A_166, %min3A_167 : i32
      %mul3A_169 = arith.constant 64 : i32
      %mul3A_170 = arith.muli %min3A_168, %mul3A_169 : i32
      %add3A_171 = arith.addi %mul3A_32, %mul3A_170 : i32
      %dma_start3A_172 = tpu.memref_slice %arg2[%add3A_171, %mul3A_34] : memref<65536x256xf32, #tpu.memory_space<hbm>> -> memref<64x64xf32, #tpu.memory_space<hbm>>
      %dma_start3A_173 = tpu.memref_slice %arg2[%add3A_171, %mul3A_34] : memref<65536x256xf32, #tpu.memory_space<hbm>> -> memref<64x64xf32, #tpu.memory_space<hbm>>
      tpu.enqueue_dma source(%dma_start3A_173 : memref<64x64xf32, #tpu.memory_space<hbm>>) target(%arg9 : memref<64x64xf32, #tpu.memory_space<vmem>>) target_semaphore(%arg15 : memref<!tpu.dma_semaphore, #tpu.memory_space<semaphore_mem>>)
      %add3A_174 = arith.constant 3 : i32
      %add3A_175 = arith.addi %mul3A_78, %add3A_174 : i32
      %mul3A_176 = arith.constant 64 : i32
      %mul3A_177 = arith.muli %add3A_175, %mul3A_176 : i32
      %eq3A_178 = arith.constant 0 : i32
      %eq3A_179 = arith.cmpi eq, %select_n3A_30, %eq3A_178 : i32
      %convert_element_type3A_180 = arith.extui %eq3A_179 : i1 to i32
      %cond3A_181 = arith.constant 0 : i32
      %cond3A_182 = arith.cmpi ne, %convert_element_type3A_180, %cond3A_181 : i32
      scf.if %cond3A_182 {
        %parallel_loop3A_186 = arith.constant 0 : i32
        %parallel_loop3A_187 = arith.constant 4 : i32
        %parallel_loop3A_188 = arith.constant 1 : i32
        scf.for %parallel_loop3A_189 = %parallel_loop3A_186 to %parallel_loop3A_187 step %parallel_loop3A_188  : i32 {
          %parallel_loop3A_190 = arith.constant 16 : i32
          %parallel_loop3A_191 = arith.muli %parallel_loop3A_189, %parallel_loop3A_190 : i32
          %parallel_loop3A_192 = arith.addi %mul3A_177, %parallel_loop3A_191 : i32
          %parallel_loop3A_193 = arith.index_cast %parallel_loop3A_192 : i32 to index
          %parallel_loop3A_194 = tpu.vector_load %arg6[%parallel_loop3A_193] {strides = array<i32>} : memref<8192xi32, #tpu.memory_space<vmem>>, vector<16xi32>,
          tpu.vector_store_idx %arg12[%parallel_loop3A_194, %iota3A], %broadcast_in_dim3A_37 {add = true} : memref<1280x16xf32, #tpu.memory_space<vmem>>[vector<16xi32>, vector<16xi32>], vector<16xf32>,
        } {sc.loop_unroll_factor = 2 : i64, sc.parallel_access}
      } else {
      }
      %parallel_loop3A_183 = arith.constant 0 : i32
      %parallel_loop3A_184 = arith.constant 64 : i32
      %parallel_loop3A_185 = arith.constant 1 : i32
      scf.for %parallel_loop3A_186 = %parallel_loop3A_183 to %parallel_loop3A_184 step %parallel_loop3A_185  : i32 {
        %parallel_loop3A_187 = arith.addi %mul3A_177, %parallel_loop3A_186 : i32
        %parallel_loop3A_188 = vector.broadcast %parallel_loop3A_187 : i32 to vector<16xi32>
        %parallel_loop3A_189 = tpu.vector_load_idx %arg6[%parallel_loop3A_188] : memref<8192xi32, #tpu.memory_space<vmem>>[vector<16xi32>], vector<16xi32>,
        %parallel_loop3A_190 = arith.index_cast %parallel_loop3A_186 : i32 to index
        %parallel_loop3A_191 = arith.constant 0 : index
        %parallel_loop3A_192 = tpu.vector_load %arg10[%parallel_loop3A_190, %parallel_loop3A_191] {strides = array<i32>} : memref<64x64xf32, #tpu.memory_space<vmem>>, vector<16xf32>,
        tpu.vector_store_idx %arg11[%parallel_loop3A_189, %add3A_40], %parallel_loop3A_192 {add = true} : memref<1280x64xf32, #tpu.memory_space<vmem>>[vector<16xi32>, vector<16xi32>], vector<16xf32>,
        %parallel_loop3A_193 = arith.index_cast %parallel_loop3A_186 : i32 to index
        %parallel_loop3A_194 = arith.constant 16 : index
        %parallel_loop3A_195 = tpu.vector_load %arg10[%parallel_loop3A_193, %parallel_loop3A_194] {strides = array<i32>} : memref<64x64xf32, #tpu.memory_space<vmem>>, vector<16xf32>,
        tpu.vector_store_idx %arg11[%parallel_loop3A_189, %add3A_43], %parallel_loop3A_195 {add = true} : memref<1280x64xf32, #tpu.memory_space<vmem>>[vector<16xi32>, vector<16xi32>], vector<16xf32>,
        %parallel_loop3A_196 = arith.index_cast %parallel_loop3A_186 : i32 to index
        %parallel_loop3A_197 = arith.constant 32 : index
        %parallel_loop3A_198 = tpu.vector_load %arg10[%parallel_loop3A_196, %parallel_loop3A_197] {strides = array<i32>} : memref<64x64xf32, #tpu.memory_space<vmem>>, vector<16xf32>,
        tpu.vector_store_idx %arg11[%parallel_loop3A_189, %add3A_46], %parallel_loop3A_198 {add = true} : memref<1280x64xf32, #tpu.memory_space<vmem>>[vector<16xi32>, vector<16xi32>], vector<16xf32>,
        %parallel_loop3A_199 = arith.index_cast %parallel_loop3A_186 : i32 to index
        %parallel_loop3A_200 = arith.constant 48 : index
        %parallel_loop3A_201 = tpu.vector_load %arg10[%parallel_loop3A_199, %parallel_loop3A_200] {strides = array<i32>} : memref<64x64xf32, #tpu.memory_space<vmem>>, vector<16xf32>,
        tpu.vector_store_idx %arg11[%parallel_loop3A_189, %add3A_49], %parallel_loop3A_201 {add = true} : memref<1280x64xf32, #tpu.memory_space<vmem>>[vector<16xi32>, vector<16xi32>], vector<16xf32>,
      } {sc.loop_unroll_factor = 8 : i64, sc.parallel_access}
    }
    %scan3A_67 = arith.constant 32 : i32
    %dma_wait3A = tpu.memref_slice %arg2[%mul3A_32, %mul3A_34] : memref<65536x256xf32, #tpu.memory_space<hbm>> -> memref<64x64xf32, #tpu.memory_space<hbm>>
    %dma_wait3A_68 = tpu.memref_slice %arg2[%mul3A_32, %mul3A_34] : memref<65536x256xf32, #tpu.memory_space<hbm>> -> memref<64x64xf32, #tpu.memory_space<hbm>>
    tpu.wait_dma2 semaphore(%arg13 : memref<!tpu.dma_semaphore, #tpu.memory_space<semaphore_mem>>) src(%dma_wait3A_68 : memref<64x64xf32, #tpu.memory_space<hbm>>) dst(%arg7 : memref<64x64xf32, #tpu.memory_space<vmem>>)
    %dma_wait3A_69 = tpu.memref_slice %arg2[%mul3A_32, %mul3A_34] : memref<65536x256xf32, #tpu.memory_space<hbm>> -> memref<64x64xf32, #tpu.memory_space<hbm>>
    %dma_wait3A_70 = tpu.memref_slice %arg2[%mul3A_32, %mul3A_34] : memref<65536x256xf32, #tpu.memory_space<hbm>> -> memref<64x64xf32, #tpu.memory_space<hbm>>
    tpu.wait_dma2 semaphore(%arg14 : memref<!tpu.dma_semaphore, #tpu.memory_space<semaphore_mem>>) src(%dma_wait3A_70 : memref<64x64xf32, #tpu.memory_space<hbm>>) dst(%arg8 : memref<64x64xf32, #tpu.memory_space<vmem>>)
    %dma_wait3A_71 = tpu.memref_slice %arg2[%mul3A_32, %mul3A_34] : memref<65536x256xf32, #tpu.memory_space<hbm>> -> memref<64x64xf32, #tpu.memory_space<hbm>>
    %dma_wait3A_72 = tpu.memref_slice %arg2[%mul3A_32, %mul3A_34] : memref<65536x256xf32, #tpu.memory_space<hbm>> -> memref<64x64xf32, #tpu.memory_space<hbm>>
    tpu.wait_dma2 semaphore(%arg15 : memref<!tpu.dma_semaphore, #tpu.memory_space<semaphore_mem>>) src(%dma_wait3A_72 : memref<64x64xf32, #tpu.memory_space<hbm>>) dst(%arg9 : memref<64x64xf32, #tpu.memory_space<vmem>>)
    "tpu.region"() ({
      %run_scoped3A = tpu.sem_alloc : memref<!tpu.dma_semaphore, #tpu.memory_space<semaphore_mem>>
      %dma_start3A_76 = arith.constant 0 : i32
      %dma_start3A_77 = tpu.memref_slice %arg4[%select_n3A, %dma_start3A_76, %mul3A_34] : memref<8x1280x256xf32, #tpu.memory_space<hbm>> -> memref<1x1280x64xf32, #tpu.memory_space<hbm>>
      %dma_start3A_78 = tpu.memref_squeeze %dma_start3A_77 : memref<1x1280x64xf32, #tpu.memory_space<hbm>> -> memref<1280x64xf32, #tpu.memory_space<hbm>>
      %dma_start3A_79 = arith.constant 0 : i32
      %dma_start3A_80 = tpu.memref_slice %arg4[%select_n3A, %dma_start3A_79, %mul3A_34] : memref<8x1280x256xf32, #tpu.memory_space<hbm>> -> memref<1x1280x64xf32, #tpu.memory_space<hbm>>
      %dma_start3A_81 = tpu.memref_squeeze %dma_start3A_80 : memref<1x1280x64xf32, #tpu.memory_space<hbm>> -> memref<1280x64xf32, #tpu.memory_space<hbm>>
      tpu.enqueue_dma source(%arg11 : memref<1280x64xf32, #tpu.memory_space<vmem>>) target(%dma_start3A_81 : memref<1280x64xf32, #tpu.memory_space<hbm>>) target_semaphore(%run_scoped3A : memref<!tpu.dma_semaphore, #tpu.memory_space<semaphore_mem>>)
      %dma_wait3A_82 = arith.constant 0 : i32
      %dma_wait3A_83 = tpu.memref_slice %arg4[%select_n3A, %dma_wait3A_82, %mul3A_34] : memref<8x1280x256xf32, #tpu.memory_space<hbm>> -> memref<1x1280x64xf32, #tpu.memory_space<hbm>>
      %dma_wait3A_84 = tpu.memref_squeeze %dma_wait3A_83 : memref<1x1280x64xf32, #tpu.memory_space<hbm>> -> memref<1280x64xf32, #tpu.memory_space<hbm>>
      %dma_wait3A_85 = arith.constant 0 : i32
      %dma_wait3A_86 = tpu.memref_slice %arg4[%select_n3A, %dma_wait3A_85, %mul3A_34] : memref<8x1280x256xf32, #tpu.memory_space<hbm>> -> memref<1x1280x64xf32, #tpu.memory_space<hbm>>
      %dma_wait3A_87 = tpu.memref_squeeze %dma_wait3A_86 : memref<1x1280x64xf32, #tpu.memory_space<hbm>> -> memref<1280x64xf32, #tpu.memory_space<hbm>>
      tpu.wait_dma2 semaphore(%run_scoped3A : memref<!tpu.dma_semaphore, #tpu.memory_space<semaphore_mem>>) src(%arg11 : memref<1280x64xf32, #tpu.memory_space<vmem>>) dst(%dma_wait3A_87 : memref<1280x64xf32, #tpu.memory_space<hbm>>)
      tpu.yield
    }) : () -> ()
    %eq3A_73 = arith.constant 0 : i32
    %eq3A_74 = arith.cmpi eq, %select_n3A_30, %eq3A_73 : i32
    %convert_element_type3A = arith.extui %eq3A_74 : i1 to i32
    %cond3A = arith.constant 0 : i32
    %cond3A_75 = arith.cmpi ne, %convert_element_type3A, %cond3A : i32
    scf.if %cond3A_75 {
      "tpu.region"() ({
        %run_scoped3A = tpu.sem_alloc : memref<!tpu.dma_semaphore, #tpu.memory_space<semaphore_mem>>
        %dma_start3A_76 = arith.constant 0 : i32
        %dma_start3A_77 = arith.constant 0 : i32
        %dma_start3A_78 = tpu.memref_slice %arg5[%select_n3A, %dma_start3A_76, %dma_start3A_77] : memref<8x1280x16xf32, #tpu.memory_space<hbm>> -> memref<1x1280x16xf32, #tpu.memory_space<hbm>>
        %dma_start3A_79 = tpu.memref_squeeze %dma_start3A_78 : memref<1x1280x16xf32, #tpu.memory_space<hbm>> -> memref<1280x16xf32, #tpu.memory_space<hbm>>
        %dma_start3A_80 = arith.constant 0 : i32
        %dma_start3A_81 = arith.constant 0 : i32
        %dma_start3A_82 = tpu.memref_slice %arg5[%select_n3A, %dma_start3A_80, %dma_start3A_81] : memref<8x1280x16xf32, #tpu.memory_space<hbm>> -> memref<1x1280x16xf32, #tpu.memory_space<hbm>>
        %dma_start3A_83 = tpu.memref_squeeze %dma_start3A_82 : memref<1x1280x16xf32, #tpu.memory_space<hbm>> -> memref<1280x16xf32, #tpu.memory_space<hbm>>
        tpu.enqueue_dma source(%arg12 : memref<1280x16xf32, #tpu.memory_space<vmem>>) target(%dma_start3A_83 : memref<1280x16xf32, #tpu.memory_space<hbm>>) target_semaphore(%run_scoped3A : memref<!tpu.dma_semaphore, #tpu.memory_space<semaphore_mem>>)
        %dma_wait3A_84 = arith.constant 0 : i32
        %dma_wait3A_85 = arith.constant 0 : i32
        %dma_wait3A_86 = tpu.memref_slice %arg5[%select_n3A, %dma_wait3A_84, %dma_wait3A_85] : memref<8x1280x16xf32, #tpu.memory_space<hbm>> -> memref<1x1280x16xf32, #tpu.memory_space<hbm>>
        %dma_wait3A_87 = tpu.memref_squeeze %dma_wait3A_86 : memref<1x1280x16xf32, #tpu.memory_space<hbm>> -> memref<1280x16xf32, #tpu.memory_space<hbm>>
        %dma_wait3A_88 = arith.constant 0 : i32
        %dma_wait3A_89 = arith.constant 0 : i32
        %dma_wait3A_90 = tpu.memref_slice %arg5[%select_n3A, %dma_wait3A_88, %dma_wait3A_89] : memref<8x1280x16xf32, #tpu.memory_space<hbm>> -> memref<1x1280x16xf32, #tpu.memory_space<hbm>>
        %dma_wait3A_91 = tpu.memref_squeeze %dma_wait3A_90 : memref<1x1280x16xf32, #tpu.memory_space<hbm>> -> memref<1280x16xf32, #tpu.memory_space<hbm>>
        tpu.wait_dma2 semaphore(%run_scoped3A : memref<!tpu.dma_semaphore, #tpu.memory_space<semaphore_mem>>) src(%arg12 : memref<1280x16xf32, #tpu.memory_space<vmem>>) dst(%dma_wait3A_91 : memref<1280x16xf32, #tpu.memory_space<hbm>>)
        tpu.yield
      }) : () -> ()
    } else {
    }
    return
  }
}

module attributes {stable_mosaic.version = 14 : i64} {
  func.func @_tc_loss(%arg0: memref<8x1280x256xf32, #tpu.memory_space<vmem>>, %arg1: memref<8x1280x16xf32, #tpu.memory_space<vmem>>, %arg2: memref<1280x256xf32, #tpu.memory_space<vmem>>, %arg3: memref<1280x256xf32, #tpu.memory_space<vmem>>, %arg4: memref<1x1xf32, #tpu.memory_space<vmem>>) attributes {dimension_semantics = [], scalar_prefetch = 0 : i64, scratch_operands = 0 : i64, tpu.core_type = #tpu.core_type<tc>} {
    %get3A = arith.constant 0 : index
    %get3A_0 = arith.constant 0 : index
    %get3A_1 = arith.constant 0 : index
    %get3A_2 = vector.load %arg0[%get3A, %get3A_0, %get3A_1] : memref<8x1280x256xf32, #tpu.memory_space<vmem>>, vector<1x1280x256xf32>
    %get3A_3 = vector.shape_cast %get3A_2 : vector<1x1280x256xf32> to vector<1280x256xf32>
    %get3A_4 = arith.constant 1 : index
    %get3A_5 = arith.constant 0 : index
    %get3A_6 = arith.constant 0 : index
    %get3A_7 = vector.load %arg0[%get3A_4, %get3A_5, %get3A_6] : memref<8x1280x256xf32, #tpu.memory_space<vmem>>, vector<1x1280x256xf32>
    %get3A_8 = vector.shape_cast %get3A_7 : vector<1x1280x256xf32> to vector<1280x256xf32>
    %add3A = arith.addf %get3A_3, %get3A_8 : vector<1280x256xf32>
    %get3A_9 = arith.constant 2 : index
    %get3A_10 = arith.constant 0 : index
    %get3A_11 = arith.constant 0 : index
    %get3A_12 = vector.load %arg0[%get3A_9, %get3A_10, %get3A_11] : memref<8x1280x256xf32, #tpu.memory_space<vmem>>, vector<1x1280x256xf32>
    %get3A_13 = vector.shape_cast %get3A_12 : vector<1x1280x256xf32> to vector<1280x256xf32>
    %add3A_14 = arith.addf %add3A, %get3A_13 : vector<1280x256xf32>
    %get3A_15 = arith.constant 3 : index
    %get3A_16 = arith.constant 0 : index
    %get3A_17 = arith.constant 0 : index
    %get3A_18 = vector.load %arg0[%get3A_15, %get3A_16, %get3A_17] : memref<8x1280x256xf32, #tpu.memory_space<vmem>>, vector<1x1280x256xf32>
    %get3A_19 = vector.shape_cast %get3A_18 : vector<1x1280x256xf32> to vector<1280x256xf32>
    %add3A_20 = arith.addf %add3A_14, %get3A_19 : vector<1280x256xf32>
    %get3A_21 = arith.constant 4 : index
    %get3A_22 = arith.constant 0 : index
    %get3A_23 = arith.constant 0 : index
    %get3A_24 = vector.load %arg0[%get3A_21, %get3A_22, %get3A_23] : memref<8x1280x256xf32, #tpu.memory_space<vmem>>, vector<1x1280x256xf32>
    %get3A_25 = vector.shape_cast %get3A_24 : vector<1x1280x256xf32> to vector<1280x256xf32>
    %add3A_26 = arith.addf %add3A_20, %get3A_25 : vector<1280x256xf32>
    %get3A_27 = arith.constant 5 : index
    %get3A_28 = arith.constant 0 : index
    %get3A_29 = arith.constant 0 : index
    %get3A_30 = vector.load %arg0[%get3A_27, %get3A_28, %get3A_29] : memref<8x1280x256xf32, #tpu.memory_space<vmem>>, vector<1x1280x256xf32>
    %get3A_31 = vector.shape_cast %get3A_30 : vector<1x1280x256xf32> to vector<1280x256xf32>
    %add3A_32 = arith.addf %add3A_26, %get3A_31 : vector<1280x256xf32>
    %get3A_33 = arith.constant 6 : index
    %get3A_34 = arith.constant 0 : index
    %get3A_35 = arith.constant 0 : index
    %get3A_36 = vector.load %arg0[%get3A_33, %get3A_34, %get3A_35] : memref<8x1280x256xf32, #tpu.memory_space<vmem>>, vector<1x1280x256xf32>
    %get3A_37 = vector.shape_cast %get3A_36 : vector<1x1280x256xf32> to vector<1280x256xf32>
    %add3A_38 = arith.addf %add3A_32, %get3A_37 : vector<1280x256xf32>
    %get3A_39 = arith.constant 7 : index
    %get3A_40 = arith.constant 0 : index
    %get3A_41 = arith.constant 0 : index
    %get3A_42 = vector.load %arg0[%get3A_39, %get3A_40, %get3A_41] : memref<8x1280x256xf32, #tpu.memory_space<vmem>>, vector<1x1280x256xf32>
    %get3A_43 = vector.shape_cast %get3A_42 : vector<1x1280x256xf32> to vector<1280x256xf32>
    %add3A_44 = arith.addf %add3A_38, %get3A_43 : vector<1280x256xf32>
    %get3A_45 = arith.constant 0 : index
    %get3A_46 = arith.constant 0 : index
    %get3A_47 = arith.constant 0 : index
    %get3A_48 = vector.load %arg1[%get3A_45, %get3A_46, %get3A_47] : memref<8x1280x16xf32, #tpu.memory_space<vmem>>, vector<1x1280x16xf32>
    %get3A_49 = vector.shape_cast %get3A_48 : vector<1x1280x16xf32> to vector<1280x16xf32>
    %get3A_50 = arith.constant 1 : index
    %get3A_51 = arith.constant 0 : index
    %get3A_52 = arith.constant 0 : index
    %get3A_53 = vector.load %arg1[%get3A_50, %get3A_51, %get3A_52] : memref<8x1280x16xf32, #tpu.memory_space<vmem>>, vector<1x1280x16xf32>
    %get3A_54 = vector.shape_cast %get3A_53 : vector<1x1280x16xf32> to vector<1280x16xf32>
    %add3A_55 = arith.addf %get3A_49, %get3A_54 : vector<1280x16xf32>
    %get3A_56 = arith.constant 2 : index
    %get3A_57 = arith.constant 0 : index
    %get3A_58 = arith.constant 0 : index
    %get3A_59 = vector.load %arg1[%get3A_56, %get3A_57, %get3A_58] : memref<8x1280x16xf32, #tpu.memory_space<vmem>>, vector<1x1280x16xf32>
    %get3A_60 = vector.shape_cast %get3A_59 : vector<1x1280x16xf32> to vector<1280x16xf32>
    %add3A_61 = arith.addf %add3A_55, %get3A_60 : vector<1280x16xf32>
    %get3A_62 = arith.constant 3 : index
    %get3A_63 = arith.constant 0 : index
    %get3A_64 = arith.constant 0 : index
    %get3A_65 = vector.load %arg1[%get3A_62, %get3A_63, %get3A_64] : memref<8x1280x16xf32, #tpu.memory_space<vmem>>, vector<1x1280x16xf32>
    %get3A_66 = vector.shape_cast %get3A_65 : vector<1x1280x16xf32> to vector<1280x16xf32>
    %add3A_67 = arith.addf %add3A_61, %get3A_66 : vector<1280x16xf32>
    %get3A_68 = arith.constant 4 : index
    %get3A_69 = arith.constant 0 : index
    %get3A_70 = arith.constant 0 : index
    %get3A_71 = vector.load %arg1[%get3A_68, %get3A_69, %get3A_70] : memref<8x1280x16xf32, #tpu.memory_space<vmem>>, vector<1x1280x16xf32>
    %get3A_72 = vector.shape_cast %get3A_71 : vector<1x1280x16xf32> to vector<1280x16xf32>
    %add3A_73 = arith.addf %add3A_67, %get3A_72 : vector<1280x16xf32>
    %get3A_74 = arith.constant 5 : index
    %get3A_75 = arith.constant 0 : index
    %get3A_76 = arith.constant 0 : index
    %get3A_77 = vector.load %arg1[%get3A_74, %get3A_75, %get3A_76] : memref<8x1280x16xf32, #tpu.memory_space<vmem>>, vector<1x1280x16xf32>
    %get3A_78 = vector.shape_cast %get3A_77 : vector<1x1280x16xf32> to vector<1280x16xf32>
    %add3A_79 = arith.addf %add3A_73, %get3A_78 : vector<1280x16xf32>
    %get3A_80 = arith.constant 6 : index
    %get3A_81 = arith.constant 0 : index
    %get3A_82 = arith.constant 0 : index
    %get3A_83 = vector.load %arg1[%get3A_80, %get3A_81, %get3A_82] : memref<8x1280x16xf32, #tpu.memory_space<vmem>>, vector<1x1280x16xf32>
    %get3A_84 = vector.shape_cast %get3A_83 : vector<1x1280x16xf32> to vector<1280x16xf32>
    %add3A_85 = arith.addf %add3A_79, %get3A_84 : vector<1280x16xf32>
    %get3A_86 = arith.constant 7 : index
    %get3A_87 = arith.constant 0 : index
    %get3A_88 = arith.constant 0 : index
    %get3A_89 = vector.load %arg1[%get3A_86, %get3A_87, %get3A_88] : memref<8x1280x16xf32, #tpu.memory_space<vmem>>, vector<1x1280x16xf32>
    %get3A_90 = vector.shape_cast %get3A_89 : vector<1x1280x16xf32> to vector<1280x16xf32>
    %add3A_91 = arith.addf %add3A_85, %get3A_90 : vector<1280x16xf32>
    %reduce_sum3A = arith.constant dense<0.000000e+00> : vector<1280xf32>
    %reduce_sum3A_92 = vector.multi_reduction <add>, %add3A_91, %reduce_sum3A [1] : vector<1280x16xf32> to vector<1280xf32>
    %broadcast_in_dim3A = vector.shape_cast %reduce_sum3A_92 : vector<1280xf32> to vector<1280x1xf32>
    %gt3A = arith.constant 0.000000e+00 : f32
    %gt3A_93 = vector.broadcast %gt3A : f32 to vector<1280x1xf32>
    %gt3A_94 = arith.cmpf ogt, %broadcast_in_dim3A, %gt3A_93 : vector<1280x1xf32>
    %max3A = arith.constant 1.000000e+00 : f32
    %max3A_95 = vector.broadcast %max3A : f32 to vector<1280x1xf32>
    %max3A_96 = arith.maximumf %broadcast_in_dim3A, %max3A_95 : vector<1280x1xf32>
    %div3A = vector.broadcast %max3A_96 : vector<1280x1xf32> to vector<1280x256xf32>
    %div3A_97 = arith.divf %add3A_44, %div3A : vector<1280x256xf32>
    %get3A_98 = arith.constant 0 : index
    %get3A_99 = arith.constant 0 : index
    %get3A_100 = vector.load %arg3[%get3A_98, %get3A_99] : memref<1280x256xf32, #tpu.memory_space<vmem>>, vector<1280x256xf32>
    %broadcast_in_dim3A_101 = vector.shape_cast %gt3A_94 : vector<1280x1xi1> to vector<1280x1xi1>
    %broadcast_in_dim3A_102 = vector.broadcast %broadcast_in_dim3A_101 : vector<1280x1xi1> to vector<1280x256xi1>
    %select_n3A = arith.select %broadcast_in_dim3A_102, %div3A_97, %get3A_100 : vector<1280x256xi1>, vector<1280x256xf32>
    %get3A_103 = arith.constant 0 : index
    %get3A_104 = arith.constant 0 : index
    %get3A_105 = vector.load %arg2[%get3A_103, %get3A_104] : memref<1280x256xf32, #tpu.memory_space<vmem>>, vector<1280x256xf32>
    %mul3A = arith.mulf %get3A_105, %get3A_105 : vector<1280x256xf32>
    %reduce_sum3A_106 = arith.constant dense<0.000000e+00> : vector<1280xf32>
    %reduce_sum3A_107 = vector.multi_reduction <add>, %mul3A, %reduce_sum3A_106 [1] : vector<1280x256xf32> to vector<1280xf32>
    %broadcast_in_dim3A_108 = vector.shape_cast %reduce_sum3A_107 : vector<1280xf32> to vector<1280x1xf32>
    %sqrt3A = math.sqrt %broadcast_in_dim3A_108 : vector<1280x1xf32>
    %add3A_109 = arith.constant 9.99999993E-9 : f32
    %add3A_110 = vector.broadcast %add3A_109 : f32 to vector<1280x1xf32>
    %add3A_111 = arith.addf %sqrt3A, %add3A_110 : vector<1280x1xf32>
    %div3A_112 = vector.broadcast %add3A_111 : vector<1280x1xf32> to vector<1280x256xf32>
    %div3A_113 = arith.divf %get3A_105, %div3A_112 : vector<1280x256xf32>
    %mul3A_114 = arith.mulf %select_n3A, %select_n3A : vector<1280x256xf32>
    %reduce_sum3A_115 = arith.constant dense<0.000000e+00> : vector<1280xf32>
    %reduce_sum3A_116 = vector.multi_reduction <add>, %mul3A_114, %reduce_sum3A_115 [1] : vector<1280x256xf32> to vector<1280xf32>
    %broadcast_in_dim3A_117 = vector.shape_cast %reduce_sum3A_116 : vector<1280xf32> to vector<1280x1xf32>
    %sqrt3A_118 = math.sqrt %broadcast_in_dim3A_117 : vector<1280x1xf32>
    %add3A_119 = arith.constant 9.99999993E-9 : f32
    %add3A_120 = vector.broadcast %add3A_119 : f32 to vector<1280x1xf32>
    %add3A_121 = arith.addf %sqrt3A_118, %add3A_120 : vector<1280x1xf32>
    %div3A_122 = vector.broadcast %add3A_121 : vector<1280x1xf32> to vector<1280x256xf32>
    %div3A_123 = arith.divf %select_n3A, %div3A_122 : vector<1280x256xf32>
    %dot_general3A = arith.constant dense<0.000000e+00> : vector<1280x1280xf32>
    %dot_general3A_124 = tpu.matmul %div3A_113, %div3A_123, %dot_general3A {dimension_numbers = #tpu.dot_dimension_numbers<[1], [1], [0], [0], [0, 0, 1, 0], [], []>, transpose_lhs_hint = false} : vector<1280x256xf32>, vector<1280x256xf32>, vector<1280x1280xf32> -> vector<1280x1280xf32>
    %div3A_125 = arith.constant 7.000000e-02 : f32
    %div3A_126 = vector.broadcast %div3A_125 : f32 to vector<1280x1280xf32>
    %div3A_127 = arith.divf %dot_general3A_124, %div3A_126 : vector<1280x1280xf32>
    %iota3A = tpu.iota {dimensions = array<i32: 1>} : vector<1280x1280xi32>
    %lt3A = arith.constant 1203 : i32
    %lt3A_128 = vector.broadcast %lt3A : i32 to vector<1280x1280xi32>
    %lt3A_129 = arith.cmpi slt, %iota3A, %lt3A_128 : vector<1280x1280xi32>
    %jit3A = arith.constant -1.000000e+30 : f32
    %broadcast_in_dim3A_130 = vector.broadcast %jit3A : f32 to vector<1280x1280xf32>
    %select_n3A_131 = arith.select %lt3A_129, %div3A_127, %broadcast_in_dim3A_130 : vector<1280x1280xi1>, vector<1280x1280xf32>
    %reduce_max3A = arith.constant dense<0xFF800000> : vector<1280xf32>
    %reduce_max3A_132 = vector.multi_reduction <maximumf>, %select_n3A_131, %reduce_max3A [1] : vector<1280x1280xf32> to vector<1280xf32>
    %broadcast_in_dim3A_133 = vector.shape_cast %reduce_max3A_132 : vector<1280xf32> to vector<1280x1xf32>
    %sub3A = vector.broadcast %broadcast_in_dim3A_133 : vector<1280x1xf32> to vector<1280x1280xf32>
    %sub3A_134 = arith.subf %select_n3A_131, %sub3A : vector<1280x1280xf32>
    %exp3A = math.exp %sub3A_134 : vector<1280x1280xf32>
    %reduce_sum3A_135 = arith.constant dense<0.000000e+00> : vector<1280xf32>
    %reduce_sum3A_136 = vector.multi_reduction <add>, %exp3A, %reduce_sum3A_135 [1] : vector<1280x1280xf32> to vector<1280xf32>
    %broadcast_in_dim3A_137 = vector.shape_cast %reduce_sum3A_136 : vector<1280xf32> to vector<1280x1xf32>
    %log3A = math.log %broadcast_in_dim3A_137 : vector<1280x1xf32>
    %add3A_138 = arith.addf %broadcast_in_dim3A_133, %log3A : vector<1280x1xf32>
    %iota3A_139 = tpu.iota {dimensions = array<i32: 0>} : vector<1280x1280xi32>
    %eq3A = arith.cmpi eq, %iota3A_139, %iota3A : vector<1280x1280xi32>
    %jit3A_140 = arith.constant 0.000000e+00 : f32
    %broadcast_in_dim3A_141 = vector.broadcast %jit3A_140 : f32 to vector<1280x1280xf32>
    %select_n3A_142 = arith.select %eq3A, %select_n3A_131, %broadcast_in_dim3A_141 : vector<1280x1280xi1>, vector<1280x1280xf32>
    %reduce_sum3A_143 = arith.constant dense<0.000000e+00> : vector<1280xf32>
    %reduce_sum3A_144 = vector.multi_reduction <add>, %select_n3A_142, %reduce_sum3A_143 [1] : vector<1280x1280xf32> to vector<1280xf32>
    %broadcast_in_dim3A_145 = vector.shape_cast %reduce_sum3A_144 : vector<1280xf32> to vector<1280x1xf32>
    %sub3A_146 = arith.subf %add3A_138, %broadcast_in_dim3A_145 : vector<1280x1xf32>
    %jit3A_147 = arith.constant 1.000000e+00 : f32
    %jit3A_148 = arith.constant 0.000000e+00 : f32
    %broadcast_in_dim3A_149 = vector.broadcast %jit3A_147 : f32 to vector<1280x1xf32>
    %broadcast_in_dim3A_150 = vector.broadcast %jit3A_148 : f32 to vector<1280x1xf32>
    %select_n3A_151 = arith.select %gt3A_94, %broadcast_in_dim3A_149, %broadcast_in_dim3A_150 : vector<1280x1xi1>, vector<1280x1xf32>
    %mul3A_152 = arith.mulf %sub3A_146, %select_n3A_151 : vector<1280x1xf32>
    %reduce_sum3A_153 = vector.shape_cast %mul3A_152 : vector<1280x1xf32> to vector<1x1280x1xf32>
    %reduce_sum3A_154 = arith.constant dense<0.000000e+00> : vector<1xf32>
    %reduce_sum3A_155 = vector.multi_reduction <add>, %reduce_sum3A_153, %reduce_sum3A_154 [1, 2] : vector<1x1280x1xf32> to vector<1xf32>
    %reduce_sum3A_156 = vector.shape_cast %reduce_sum3A_155 : vector<1xf32> to vector<1x1x1xf32>
    %reduce_sum3A_157 = vector.extract %reduce_sum3A_156[0, 0, 0] : f32 from vector<1x1x1xf32>
    %broadcast_in_dim3A_158 = vector.broadcast %reduce_sum3A_157 : f32 to vector<1x1xf32>
    %reduce_sum3A_159 = vector.shape_cast %select_n3A_151 : vector<1280x1xf32> to vector<1x1280x1xf32>
    %reduce_sum3A_160 = arith.constant dense<0.000000e+00> : vector<1xf32>
    %reduce_sum3A_161 = vector.multi_reduction <add>, %reduce_sum3A_159, %reduce_sum3A_160 [1, 2] : vector<1x1280x1xf32> to vector<1xf32>
    %reduce_sum3A_162 = vector.shape_cast %reduce_sum3A_161 : vector<1xf32> to vector<1x1x1xf32>
    %reduce_sum3A_163 = vector.extract %reduce_sum3A_162[0, 0, 0] : f32 from vector<1x1x1xf32>
    %broadcast_in_dim3A_164 = vector.broadcast %reduce_sum3A_163 : f32 to vector<1x1xf32>
    %max3A_165 = arith.constant 1.000000e+00 : f32
    %max3A_166 = vector.broadcast %max3A_165 : f32 to vector<1x1xf32>
    %max3A_167 = arith.maximumf %broadcast_in_dim3A_164, %max3A_166 : vector<1x1xf32>
    %div3A_168 = arith.divf %broadcast_in_dim3A_158, %max3A_167 : vector<1x1xf32>
    %swap3A = arith.constant 0 : index
    %swap3A_169 = arith.constant 0 : index
    %swap3A_170 = vector.load %arg4[%swap3A, %swap3A_169] : memref<1x1xf32, #tpu.memory_space<vmem>>, vector<1x1xf32>
    tpu.vector_store %arg4[%swap3A, %swap3A_169], %div3A_168 {strides = array<i32>} : memref<1x1xf32, #tpu.memory_space<vmem>>, vector<1x1xf32>,
    return
  }
}

</mosaic_0001>

<sc_bundles>
// kernel: kernel.4.cloned.1.call-start
scs
__scs_entry_jumppad:
0x0: {  	(pc) =	sbr.rel $0x88, $3  }
0x1: {  	(tag) =	ssettag $0x0;
	lr =	simm.s32 $0x1  }
0x2: {  	[smem:$0x3F9D] =	sst lr;
	_ =	strace $0xD0000000  }
0x3: {  	_ = 	snop  }
0x4: {  	_ = 	snop  }
0x5: {  	_ = 	snop  }
0x6: {  	_ = 	snop  }
0x7: {  	_ = 	snop  }
__scs_overlays_trampoline_lowered:
0x8: {  	[smem:$0x3FAC] =	sst s0  }
0x9: {  	[smem:$0x3FAD] =	sst s1  }
0xa: {  	[smem:$0x3FAE] =	sst s2  }
0xb: {  	[smem:$0x3FAF] =	sst s3  }
0xc: {  	[smem:$0x3FB0] =	sst s4  }
0xd: {  	[smem:$0x3FB1] =	sst s5  }
0xe: {  	[smem:$0x3FB2] =	sst s6  }
0xf: {  	[smem:$0x3FB3] =	sst s7  }
0x10: {  	[smem:$0x3FB4] =	sst s8  }
0x11: {  	[smem:$0x3FB5] =	sst s9;
	s0 =	simm.s32 @!p0 $0x0  }
0x12: {  	s1 =	sld [smem:$0x3F9B];
	s0 =	simm.s32 @p0 $0x1  }
0x13: {  	[smem:$0x3FB6] =	sst s0;
	s0 =	simm.s32 @!p1 $0x0  }
0x14: {  	s2 =	sld [smem:$0x3F9A];
	s0 =	simm.s32 @p1 $0x1  }
0x15: {  	[smem:$0x3FB7] =	sst s0;
	s0 =	simm.s32 @!p2 $0x0  }
0x16: {  	s3 =	sld [smem:$0x3FDB];
	s0 =	simm.s32 @p2 $0x1  }
0x17: {  	s4 =	simm.s32 $0x1BF5;
	[smem:$0x3FB9] =	sst s0  }
0x18: {  	s0 =	sld [smem:$0x3F9C];
	_ =	swait.ge [sflag:s4], $0x0  }
0x19: {  	s7 =	sld [smem:$0x3F9D]  }
0x1a: {  	s8 =	sadd.s32 $0xFFFFE003, lr  }
0x1b: {  	s9 =	sadd.s32 $0xFFFFFEF7, lr;
	s5 =	simm.s32 $0xFFFFFFFF;
	p2 =	slt.u32 s8, $0xFFFFF086  }
0x1c: {  	p1 =	slt.u32 s9, $0xF7A;
	s5 =	simm.s32 @!p2 $0x0  }
0x1d: {  	s5 =	simm.s32 @p1 $0x1;
	p0 =	seq.s32 s7, s2  }
0x1e: {  	s7 =	smul.u32 @!p0 $0xF7A, s2;
	p2 =	seq.s32 @!p0 s5, $0x0  }
0x1f: {  	s9 =	smul.u32 $0xF7A, s1;
	s8 =	simm.s32 @!p0 $0x1BF5;
	p2 =	por !p2, p0  }
0x20: {  	[sflag:s8] =	ssyncset.s32 @!p0 $0xFFFFF086;
	s6 =	sadd.s32 @!p0 s3, s7;
	s7 =	simm.s32 @!p0 $0x108  }
0x21: {  	s3 =	sadd.s32 s3, s9;
	s6 =	sadd.s32 @!p0 $0x88, s6;
	s7 =	simm.s32 @p2 $0x1082  }
0x22: {  	[simem:s7], [sflag:s8] =	dma.local @!p0 [hbm:s6], $0xF7A  }
0x23: {  	s9 =	sor.u32 $0xD0000000, s2;
	s6 =	simm.s32 $0x108;
	_ =	swait.ge @!p0 [sflag:s8], $0x0  }
0x24: {  	s3 =	sadd.s32 $0x88, s3;
	s6 =	simm.s32 @!p1 $0x1082;
	[sflag:s4] =	ssyncset.s32 $0xFFFFF086  }
0x25: {  	[simem:s6], [sflag:s4] =	dma.local [hbm:s3], $0xF7A  }
0x26: {  	[smem:$0x3F9D] =	sst s1;
	(tag) =	ssettag s2;
	_ =	strace s9  }
0x27: {  	s1 =	sld [smem:$0x3FAD]  }
0x28: {  	s2 =	sld [smem:$0x3FAE]  }
0x29: {  	s4 =	sld [smem:$0x3FB0]  }
0x2a: {  	p0 =	seq.s32 s5, $0x0;
	s5 =	sld [smem:$0x3FB1]  }
0x2b: {  	s6 =	sld [smem:$0x3FB2]  }
0x2c: {  	s7 =	sld [smem:$0x3FB3]  }
0x2d: {  	s3 =	simm.s32 $0x108;
	s8 =	sld [smem:$0x3FB4]  }
0x2e: {  	s3 =	simm.s32 @!p0 $0x1082;
	s9 =	sld [smem:$0x3FB5]  }
0x2f: {  	lr =	sadd.s32 s0, s3;
	s0 =	sld [smem:$0x3FAC]  }
0x30: {  	s3 =	sld [smem:$0x3FAF]  }
0x31: {  	[smem:$0x3FB8] =	sst s10  }
0x32: {  	s10 =	sld [smem:$0x3FB6];
	_ =	sdelay $0x3  }
0x33: {  	p0 =	seq.s32 s10, $0x1;
	s10 =	sld [smem:$0x3FB8];
	_ =	sdelay $0x3  }
0x34: {  	[smem:$0x3FB8] =	sst s10  }
0x35: {  	s10 =	sld [smem:$0x3FB7];
	_ =	sdelay $0x3  }
0x36: {  	p1 =	seq.s32 s10, $0x1;
	s10 =	sld [smem:$0x3FB8];
	_ =	sdelay $0x3  }
0x37: {  	[smem:$0x3FB8] =	sst s10  }
0x38: {  	s10 =	sld [smem:$0x3FB9]  }
0x39: {  	_ = 	snop;
	(pc) =	sbr.ind lr, $3  }
0x3a: {  	_ = 	snop  }
0x3b: {  	_ = 	snop  }
0x3c: {  	p2 =	seq.s32 s10, $0x1;
	s10 =	sld [smem:$0x3FB8]  }
0x3d: {  	_ =	shalt  }
0x3e: {  	_ =	shalt  }
0x3f: {  	_ =	shalt  }
0x40: {  	_ =	shalt  }
0x41: {  	_ =	shalt  }
0x42: {  	_ =	shalt  }
0x43: {  	_ =	shalt  }
0x44: {  	_ =	shalt  }
0x45: {  	_ =	shalt  }
0x46: {  	_ =	shalt  }
0x47: {  	_ =	shalt  }
0x48: {  	_ =	shalt  }
0x49: {  	_ =	shalt  }
0x4a: {  	_ =	shalt  }
0x4b: {  	_ =	shalt  }
0x4c: {  	_ =	shalt  }
0x4d: {  	_ =	shalt  }
0x4e: {  	_ =	shalt  }
0x4f: {  	_ =	shalt  }
0x50: {  	_ =	shalt  }
0x51: {  	_ =	shalt  }
0x52: {  	_ =	shalt  }
0x53: {  	_ =	shalt  }
0x54: {  	_ =	shalt  }
0x55: {  	_ =	shalt  }
0x56: {  	_ =	shalt  }
0x57: {  	_ =	shalt  }
0x58: {  	_ =	shalt  }
0x59: {  	_ =	shalt  }
0x5a: {  	_ =	shalt  }
0x5b: {  	_ =	shalt  }
0x5c: {  	_ =	shalt  }
0x5d: {  	_ =	shalt  }
0x5e: {  	_ =	shalt  }
0x5f: {  	_ =	shalt  }
0x60: {  	_ =	shalt  }
0x61: {  	_ =	shalt  }
0x62: {  	_ =	shalt  }
0x63: {  	_ =	shalt  }
0x64: {  	_ =	shalt  }
0x65: {  	_ =	shalt  }
0x66: {  	_ =	shalt  }
0x67: {  	_ =	shalt  }
0x68: {  	_ =	shalt  }
0x69: {  	_ =	shalt  }
0x6a: {  	_ =	shalt  }
0x6b: {  	_ =	shalt  }
0x6c: {  	_ =	shalt  }
0x6d: {  	_ =	shalt  }
0x6e: {  	_ =	shalt  }
0x6f: {  	_ =	shalt  }
0x70: {  	_ =	shalt  }
0x71: {  	_ =	shalt  }
0x72: {  	_ =	shalt  }
0x73: {  	_ =	shalt  }
0x74: {  	_ =	shalt  }
0x75: {  	_ =	shalt  }
0x76: {  	_ =	shalt  }
0x77: {  	_ =	shalt  }
0x78: {  	_ =	shalt  }
0x79: {  	_ =	shalt  }
0x7a: {  	_ =	shalt  }
0x7b: {  	_ =	shalt  }
0x7c: {  	_ =	shalt  }
0x7d: {  	_ =	shalt  }
0x7e: {  	_ =	shalt  }
0x7f: {  	_ =	shalt  }
0x80: {  	_ =	shalt  }
0x81: {  	_ =	shalt  }
0x82: {  	_ =	shalt  }
0x83: {  	_ =	shalt  }
0x84: {  	_ =	shalt  }
0x85: {  	_ =	shalt  }
0x86: {  	_ =	shalt  }
0x87: {  	_ =	shalt  }
.Lfunc_end0:
.L_simem_size_0:
called_computation.1_lowered:
.L_overlay_start_0:
0x88: {  	s2 =	sld [smem:$0x3FD9]  }
0x89: {  	s3 =	sld [smem:$0x3FFE];
	_ =	sdelay $0x1  }
0x8a: {  	s1 =	srdreg.scid  }
0x8b: {  	s0 =	sand.u32 $0x1, s1  }
0x8c: {  	s17 =	sshll.u32 s0, $0xA;
	s2 =	sadd.s32 s3, s2  }
0x8d: {  	s2 =	sadd.s32 s2, s17  }
0x8e: {  	[smem:$0x3FC4] =	sst s2  }
0x8f: {  	_ = 	snop  }
0x90: {  	s2 =	sld [smem:$0x3FC8];
	(tm) =	ssettm $0x1  }
0x91: {  	s18 =	sld [smem:$0x3FFB];
	_ =	sdelay $0x3  }
0x92: {  	_ =	strace s18  }
0x93: {  	s3 =	sld [smem:$0x3FFC];
	_ =	sdelay $0x3  }
0x94: {  	_ =	strace s3  }
0x95: {  	s3 =	sld [smem:$0x3FFD];
	_ =	sdelay $0x3  }
0x96: {  	_ =	strace s3  }
0x97: {  	_ =	strace $0x8FFFFFFF  }
0x98: {  	s19 =	sld [smem:$0x3FDB];
	_ =	sdelay $0x1  }
0x99: {  	s4 =	simm.s32 $_scs_section_size  }
0x9a: {  	s5 =	simm.s32 $_size__tile_overlayer_lowered;
	s6 =	simm.s32 $_tile_overlayer_lowered  }
0x9b: {  	s22 =	simm.s32 $0x1BFF;
	s21 =	sshll.u32 s6, $0x1;
	s3 =	sadd.s32 s4, s19  }
0x9c: {  	s7 =	simm.s32 $0x0;
	s20 =	sshll.u32 s5, $0x1;
	s5 =	sadd.s32 s21, s3  }
0x9d: {  	[timem:s7], [sflag:s22] =	dma.local [hbm:s5], s20  }
0x9e: {  	_ =	swait.ge [sflag:s22], s20  }
0x9f: {  	s4 =	ssub.s32 $0x0, s20;
	[sflag:s22] =	ssyncset.done $0x0  }
0xa0: {  	[sflag:s22] =	ssyncadd.s32 s4;
	_ =	sdelay $0x1  }
0xa1: {  	s23 =	simm.s32 $0x1B8B  }
0xa2: {  	_ =	swait.ge [sflag:s23], $0x1  }
0xa3: {  	[sflag:s23] =	ssyncset.done $0x0  }
0xa4: {  	s25 =	simm.s32 $0x1B8E;
	s24 =	sld [smem:$0x3FFE];
	[sflag:s23] =	ssyncadd.s32 $0xFFFFFFFF  }
0xa5: {  	s26 =	simm.s32 $execute0_lowered;
	[smem:$0x3FD2] =	sst s25  }
0xa6: {  	s5 =	sshll.u32 s26, $0x1;
	_ =	strace $0x80000049;
	[dreg:$0x1] =	wrdreg $0xFFFFFFFF  }
0xa7: {  	s28 =	simm.s32 $_size_execute0_lowered;
	s3 =	sadd.s32 s3, s5;
	[dreg:$0x0] =	wrdreg $0x0  }
0xa8: {  	s5 =	sshll.u32 s28, $0x1;
	[dreg:$0x2] =	wrdreg s3  }
0xa9: {  	[dreg:$0x3] =	wrdreg s5  }
0xaa: {  	[dreg:$0x4] =	wrdreg $0xC0  }
0xab: {  	_ =	task [dreg:s7], $0x5FFFF  }
0xac: {  	[dreg:$0x1] =	wrdreg $0xFFFFFFFF  }
0xad: {  	[dreg:$0x0] =	wrdreg $0x60  }
0xae: {  	[dreg:$0x2] =	wrdreg s24  }
0xaf: {  	[dreg:$0x3] =	wrdreg s2  }
0xb0: {  	[dreg:$0x4] =	wrdreg $0x9  }
0xb1: {  	_ =	task.clear_ibuf [dreg:s7], $0x5FFFF;
	_ =	strace $0x90000049  }
0xb2: {  	s29 =	simm.s32 $0x9;
	_ =	strace $0x8000004B  }
0xb3: {  	_ =	swait.ge [sflag:s29], $0x1  }
0xb4: {  	[sflag:s29] =	ssyncadd.s32 $0xFFFFFFFF  }
0xb5: {  	_ =	strace $0x9000004B  }
0xb6: {  	_ =	sfence  }
0xb7: {  	s30 =	sld [smem:$0x0];
	_ =	sdelay $0x2  }
0xb8: {  	s31 =	sshll.u32 s1, $0xD;
	s1 =	sshrl.u32 s1, $0x2  }
0xb9: {  	s3 =	sand.u32 $0x4000, s31;
	s1 =	sadd.s32 s1, s30  }
0xba: {  	s0 =	sor.u32 s3, s0;
	s1 =	sshll.u32 s1, $0x11  }
0xbb: {  	s0 =	sor.u32 s1, s0  }
0xbc: {  	s0 =	sadd.s32 $0x8F2B, s0  }
0xbd: {  	[sflag:s0] =	ssyncadd.remote.s32 $0x1  }
0xbe: {  	_ =	sfence.sel $0xFFFF  }
0xbf: {  	[dreg:$0x0] =	wrdreg $0xFFFFFFFF;
	(pc) =	sbr.abs _section_cstart, $3  }
0xc0: {  	[dreg:$0x1] =	wrdreg $0xFFFFFFFF  }
0xc1: {  	_ =	task.clear_ibuf [dreg:s7], $0x2FFFF;
	_ =	strace $0x9FFFFFFF  }
0xc2: {  	(tm) =	ssettm $0x7FFFFFFF  }
0xc3: {  	_ =	shalt  }
tec
execute0_lowered:
.L_overlay_start_1:
0x0: {  	(tag) =	ssettag $0x1  }
0x1: {  	s0 =	srdreg.scid  }
0x2: {  	s2 =	stileid.u32;
	s5 =	rddreg [dreg:$0x0]  }
0x3: {  	s7 =	rddreg [dreg:$0x1];
	s16 =	simm.s32 $0x40;
	s17 =	simm.s32 $0x100  }
0x4: {  	s18 =	simm.s32 $0x2000;
	s19 =	simm.s32 $0x3000;
	s20 =	simm.s32 $0x4000  }
0x5: {  	s21 =	simm.s32 $0x5;
	s22 =	simm.s32 $0x5000;
	s0 =	sand.u32 $0x1, s0  }
0x6: {  	s23 =	simm.s32 $0x6000;
	s24 =	simm.s32 $0x2;
	s1 =	sshll.u32 s0, $0x4  }
0x7: {  	s28 =	simm.s32 $0x0;
	s3 =	sand.u32 $0x3, s2;
	s1 =	sor.u32 s2, s1  }
0x8: {  	p0 =	sne.s32 s3, $0x0;
	s6 =	sshll.u32 s3, $0x6;
	p1 =	seq.s32 s1, $0x0  }
0x9: {  	s3 =	sadd.s32 $0x1200, s5;
	s0 =	ssub.s32 $0x2, s0;
	p1 =	por !p0, !p1  }
0xa: {  	s2 =	simm.s32 $0x1;
	s25 =	sshrl.u32 s0, $0x1;
	p1 =	por !p1, !p1  }
0xb: {  	s1 =	sshrl.u32 s1, $0x2;
	s0 =	ssub.s32 s0, s25;
	s2 =	simm.s32 @!p1 $0x0  }
0xc: {  	s25 =	simm.s32 $0x3;
	s1 =	ssub.s32 s1, s2;
	s2 =	simm.s32 $0x0  }
0xd: {  	s0 =	smax.u32 s0, $0x1;
	s4 =	smul.u32 $0x50000, s1;
	[smem:$0x7FF] =	sst s2  }
0xe: {  	s9 =	smul.u32 $0x5000, s1;
	s10 =	sshll.u32 s1, $0x15;
	s1 =	sshll.u32 s1, $0xA  }
0xf: {  	_ =	strace $0x8000004A;
	s1 =	sand.u32 $0x1FFFFC00, s1;
	[dreg:$0x9] =	wrdreg s0  }
0x10: {  	s8 =	sor.u32 s6, s4;
	s9 =	sshrl.u32 s9, $0x3;
	s1 =	sadd.s32 s7, s1  }
0x11: {  	s8 =	sshrl.u32 s8, $0x3;
	s14 =	sadd.s32 s9, s5;
	[dreg:$0x6] =	wrdreg s1  }
0x12: {  	s8 =	sadd.s32 s8, s5;
	s5 =	sor.u32 s6, s10;
	s31 =	sadd.s32 $0x251200, s14  }
0x13: {  	s26 =	sshrl.u32 s5, $0x3;
	s30 =	sadd.s32 $0x201200, s8;
	[dreg:$0x8] =	wrdreg s31  }
0x14: {  	s4 =	simm.s32 $0x1;
	s29 =	sadd.s32 s3, s26;
	[dreg:$0x7] =	wrdreg s30  }
0x15: {  	v1 =	vimm.s32 $0x0;
	vm0 =	vcmask $0x300;
	s10 =	sor.u32 $0x10000, s5;
	s9 =	sadd.s32 $0x800, s29;
	[dreg:$0x3] =	wrdreg s29  }
0x16: {  	v0 =	vimm.f32 $0.0e+00;
	v2 =	vlaneseq.u32;
	v1 =	vsel vm0, $0x3, v1;
	s11 =	sor.u32 $0x14000, s5;
	s6 =	sadd.s32 $0x1000, s29;
	[dreg:$0x4] =	wrdreg s9  }
0x17: {  	v3 =	vor.u32 $0x10, v2;
	v4 =	vor.u32 $0x20, v2;
	v5 =	vor.u32 $0x30, v2;
	s12 =	sor.u32 $0x18000, s5;
	s26 =	simm.s32 $0x4;
	[dreg:$0x5] =	wrdreg s6  }
.LBB2_1:
0x18: {  	s0 =	rddreg [dreg:$0x3]  }
0x19: {  	[tilespmem:s18], [sflag:$0x1] =	stream.strided.gather [hbm4b:s0+s16], $0x1000, s17, s16, $0x38;
	[tilespmem:$0x1F000] =	vst v63  }
0x1a: {  	s29 =	rddreg [dreg:$0x4]  }
0x1b: {  	[tilespmem:s19], [sflag:$0x2] =	stream.strided.gather [hbm4b:s29+s16], $0x1000, s17, s16, $0x38;
	[tilespmem:$0x1F000] =	vst v63  }
0x1c: {  	s30 =	rddreg [dreg:$0x5]  }
0x1d: {  	[tilespmem:s20], [sflag:$0x3] =	stream.strided.gather [hbm4b:s30+s16], $0x1000, s17, s16, $0x38;
	[tilespmem:$0x1F000] =	vst v63  }
0x1e: {  	s31 =	rddreg [dreg:$0x6]  }
0x1f: {  	[tilespmem:s2], [sflag:$0x5] =	stream.linear.gather [hbm4b:s31+s2], $0x2000, $0x38;
	[tilespmem:$0x1F000] =	vst v63  }
0x20: {  	_ =	swait.ge [sflag:s21], $0x2000  }
0x21: {  	[sflag:s21] =	ssyncset.done $0x0  }
0x22: {  	s0 =	simm.s32 $0x6080;
	[sflag:s21] =	ssyncadd.s32 $0xFFFFE000  }
0x23: {  	[tilespmem:s0+$0xFFFFFF80] =	vst v0  }
0x24: {  	[tilespmem:s0+$0xFFFFFFB0] =	vst v0  }
0x25: {  	[tilespmem:s0+$0x70] =	vst v0  }
0x26: {  	[tilespmem:s0+$0x60] =	vst v0  }
0x27: {  	[tilespmem:s0+$0x50] =	vst v0  }
0x28: {  	[tilespmem:s0+$0x40] =	vst v0  }
0x29: {  	[tilespmem:s0+$0xFFFFFFF0] =	vst v0  }
0x2a: {  	[tilespmem:s0+$0x30] =	vst v0  }
0x2b: {  	[tilespmem:s0+$0x20] =	vst v0  }
0x2c: {  	[tilespmem:s0+$0x10] =	vst v0  }
0x2d: {  	[tilespmem:s0+$0x0] =	vst v0  }
0x2e: {  	[tilespmem:s0+$0xFFFFFFE0] =	vst v0  }
0x2f: {  	[tilespmem:s0+$0xFFFFFFD0] =	vst v0  }
0x30: {  	[tilespmem:s0+$0xFFFFFFC0] =	vst v0  }
0x31: {  	[tilespmem:s0+$0xFFFFFFA0] =	vst v0  }
0x32: {  	s1 =	simm.s32 $0x1A020;
	[tilespmem:s0+$0xFFFFFF90] =	vst v0  }
0x33: {  	[tilespmem:s1+$0x10] =	vst v0  }
0x34: {  	[tilespmem:s1+$0x0] =	vst v0  }
0x35: {  	s7 =	simm.s32 $0x0;
	[tilespmem:s1+$0xFFFFFFF0] =	vst v0  }
.LBB2_2:
0x36: {  	s7 =	sadd.s32 $0x4, s7;
	[tilespmem:s1+$0xFFFFFFE0] =	vst v0;
	s0 =	sadd.s32 $0x100, s0;
	s1 =	sadd.s32 $0x40, s1  }
0x37: {  	[tilespmem:s0+$0xFFFFFF80] =	vst v0;
	p1 =	slt.u32 s7, $0x4FC  }
0x38: {  	[tilespmem:s0+$0xFFFFFFB0] =	vst v0  }
0x39: {  	[tilespmem:s0+$0x70] =	vst v0  }
0x3a: {  	[tilespmem:s0+$0x60] =	vst v0  }
0x3b: {  	[tilespmem:s0+$0x50] =	vst v0  }
0x3c: {  	[tilespmem:s0+$0x40] =	vst v0  }
0x3d: {  	[tilespmem:s1+$0x10] =	vst v0  }
0x3e: {  	[tilespmem:s0+$0xFFFFFFF0] =	vst v0  }
0x3f: {  	[tilespmem:s0+$0x30] =	vst v0  }
0x40: {  	[tilespmem:s0+$0x20] =	vst v0  }
0x41: {  	[tilespmem:s0+$0x10] =	vst v0  }
0x42: {  	[tilespmem:s0+$0x0] =	vst v0  }
0x43: {  	[tilespmem:s1+$0x0] =	vst v0  }
0x44: {  	[tilespmem:s0+$0xFFFFFFE0] =	vst v0  }
.Ltmp0:
0x45: {  	[tilespmem:s0+$0xFFFFFFD0] =	vst v0;
	(pc) =	sbr.rel @p1 .LBB2_2-.Ltmp0, $4  }
0x46: {  	[tilespmem:s0+$0xFFFFFFC0] =	vst v0  }
0x47: {  	[tilespmem:s1+$0xFFFFFFF0] =	vst v0  }
0x48: {  	[tilespmem:s0+$0xFFFFFFA0] =	vst v0  }
0x49: {  	s29 =	simm.s32 $0x0;
	[tilespmem:s0+$0xFFFFFF90] =	vst v0  }
0x4a: {  	[tilespmem:s1+$0xFFFFFFE0] =	vst v0;
	s30 =	simm.s32 $0x0  }
.LBB2_4:
0x4b: {  	s31 =	sshllo.u32 s30, $0x2  }
0x4c: {  	s0 =	sshll.u32 s31, $0xE  }
0x4d: {  	_ =	swait.ge [sflag:s4], $0x1000;
	s0 =	sadd.s32 s5, s0  }
0x4e: {  	[sflag:s4] =	ssyncset.done $0x0;
	s0 =	sshrl.u32 s0, $0x3  }
0x4f: {  	[sflag:s4] =	ssyncadd.s32 $0xFFFFF000;
	s0 =	sadd.s32 s3, s0  }
0x50: {  	[tilespmem:s22], [sflag:$0x4] =	stream.strided.gather [hbm4b:s0+s16], $0x1000, s17, s16, $0x38;
	[tilespmem:$0x1F000] =	vst v63  }
0x51: {  	s0 =	sshll.u32 s30, $0x8  }
0x52: {  	v6 =	vld @!p0 [tilespmem:s0+$0x0]  }
0x53: {  	v7 =	vld @!p0 [tilespmem:s0+$0x10];
	_ =	sdelay $0x3  }
0x54: {  	v8 =	vlaneseq.u32 @!p0;
	v6 =	vshll.u32 @!p0 v6, $0x4  }
0x55: {  	v7 =	vshll.u32 @!p0 v7, $0x4;
	v6 =	vor.u32 @!p0 v8, v6  }
0x56: {  	v7 =	vor.u32 @!p0 v8, v7;
	_ =	sdelay $0x2  }
0x57: {  	v9 =	vimm.f32 @!p0 $1.000000000e+00;
	s1 =	simm.s32 @!p0 $0x1A000  }
0x58: {  	[tilespmem:v6+s1+$0x0] =	vst.idx.add.f32.msk @!p0 $0xffff, v9  }
0x59: {  	[tilespmem:v7+s1+$0x0] =	vst.idx.add.f32.msk @!p0 $0xffff, v9  }
0x5a: {  	v6 =	vld @!p0 [tilespmem:s0+$0x20]  }
0x5b: {  	v7 =	vld @!p0 [tilespmem:s0+$0x30]  }
0x5c: {  	s7 =	sadd.s32 $0xFFFFFFF8, s29  }
0x5d: {  	s8 =	sadd.s32 $0xF, s7  }
0x5e: {  	v10 =	vmov s8  }
0x5f: {  	v10 =	vshrl.u32 v10, $0x3;
	v6 =	vshll.u32 @!p0 v6, $0x4  }
0x60: {  	v10 =	vshll.u32 v10, v1;
	v7 =	vshll.u32 @!p0 v7, $0x4;
	v6 =	vor.u32 @!p0 v8, v6  }
0x61: {  	s15 =	sadd.s32 $0x9, s7;
	v10 =	vadd.s32 $0x7, v10;
	v7 =	vor.u32 @!p0 v8, v7  }
0x62: {  	v8 =	vbroadcast v10, $0x0;
	v10 =	vmov s15  }
0x63: {  	s13 =	sadd.s32 $0xB, s7;
	v10 =	vshrl.u32 v10, $0x3  }
0x64: {  	s9 =	sadd.s32 $0xA, s7;
	v12 =	vmov s13;
	s13 =	sadd.s32 $0xD, s7;
	v10 =	vshll.u32 v10, v1  }
0x65: {  	s6 =	sadd.s32 $0xC, s7;
	v11 =	vmov s9;
	v13 =	vmov s13;
	v10 =	vadd.s32 $0x1, v10;
	[tilespmem:v6+s1+$0x0] =	vst.idx.add.f32.msk @!p0 $0xffff, v9  }
0x66: {  	s14 =	sadd.s32 $0xE, s7;
	v10 =	vbroadcast v10, $0x0;
	v6 =	vmov s6;
	[tilespmem:v7+s1+$0x0] =	vst.idx.add.f32.msk @!p0 $0xffff, v9;
	v7 =	vshrl.u32 v11, $0x3  }
0x67: {  	s15 =	sadd.s32 $0x8, s7;
	v9 =	vshrl.u32 v12, $0x3;
	v11 =	vmov s14;
	v12 =	vshrl.u32 v13, $0x3  }
0x68: {  	v13 =	vmov s15;
	v6 =	vshrl.u32 v6, $0x3;
	v7 =	vshll.u32 v7, v1  }
0x69: {  	v11 =	vshrl.u32 v11, $0x3;
	v12 =	vshll.u32 v12, v1;
	v7 =	vadd.s32 $0x2, v7  }
0x6a: {  	s7 =	simm.s32 $0x2100;
	v8 =	vld.idx.msk [tilespmem:v8+s2+$0x0], $0xffff;
	v13 =	vshrl.u32 v13, $0x3;
	v12 =	vadd.s32 $0x5, v12;
	v7 =	vbroadcast v7, $0x0  }
0x6b: {  	v14 =	vld [tilespmem:s7+$0xC0];
	v6 =	vshll.u32 v6, v1;
	v13 =	vshll.u32 v13, v1;
	v12 =	vbroadcast v12, $0x0  }
0x6c: {  	v16 =	vld [tilespmem:s7+$0xFFFFFF00];
	v11 =	vshll.u32 v11, v1;
	v6 =	vadd.s32 $0x4, v6;
	v13 =	vbroadcast v13, $0x0  }
0x6d: {  	v17 =	vld [tilespmem:s7+$0xFFFFFF40];
	v11 =	vadd.s32 $0x6, v11;
	v6 =	vbroadcast v6, $0x0  }
0x6e: {  	v18 =	vld [tilespmem:s7+$0xFFFFFF80];
	v11 =	vbroadcast v11, $0x0  }
0x6f: {  	v10 =	vld.idx.msk [tilespmem:v10+s2+$0x0], $0xffff;
	v8 =	vshll.u32 v8, $0x6  }
0x70: {  	v15 =	vor.u32 v2, v8;
	v7 =	vld.idx.msk [tilespmem:v7+s2+$0x0], $0xffff  }
0x71: {  	v9 =	vshll.u32 v9, v1;
	v12 =	vld.idx.msk [tilespmem:v12+s2+$0x0], $0xffff  }
0x72: {  	v9 =	vadd.s32 $0x3, v9;
	v13 =	vld.idx.msk [tilespmem:v13+s2+$0x0], $0xffff  }
0x73: {  	v9 =	vbroadcast v9, $0x0;
	v6 =	vld.idx.msk [tilespmem:v6+s2+$0x0], $0xffff  }
0x74: {  	v11 =	vld.idx.msk [tilespmem:v11+s2+$0x0], $0xffff  }
0x75: {  	[tilespmem:v15+s23+$0x0] =	vst.idx.add.f32.msk $0xffff, v14  }
0x76: {  	v15 =	vor.u32 v3, v8;
	v14 =	vld [tilespmem:s7+$0xD0]  }
0x77: {  	v19 =	vld [tilespmem:s7+$0xFFFFFFC0];
	v10 =	vshll.u32 v10, $0x6  }
0x78: {  	v21 =	vld [tilespmem:s7+$0x0];
	v20 =	vor.u32 v2, v10;
	v7 =	vshll.u32 v7, $0x6  }
0x79: {  	v9 =	vld.idx.msk [tilespmem:v9+s2+$0x0], $0xffff;
	v22 =	vor.u32 v2, v7;
	v6 =	vshll.u32 v6, $0x6  }
0x7a: {  	v25 =	vshll.u32 v12, $0x6;
	v12 =	vld [tilespmem:s7+$0x80];
	v11 =	vshll.u32 v11, $0x6;
	v24 =	vor.u32 v2, v6  }
0x7b: {  	v27 =	vshll.u32 v13, $0x6;
	v13 =	vor.u32 v2, v11;
	[tilespmem:v15+s23+$0x0] =	vst.idx.add.f32.msk $0xffff, v14  }
0x7c: {  	v15 =	vor.u32 v4, v8;
	v14 =	vld [tilespmem:s7+$0xE0]  }
0x7d: {  	[tilespmem:v20+s23+$0x0] =	vst.idx.add.f32.msk $0xffff, v17  }
0x7e: {  	v17 =	vor.u32 v2, v27;
	[tilespmem:v22+s23+$0x0] =	vst.idx.add.f32.msk $0xffff, v18  }
0x7f: {  	[tilespmem:v24+s23+$0x0] =	vst.idx.add.f32.msk $0xffff, v21  }
0x80: {  	v23 =	vshll.u32 v9, $0x6;
	[tilespmem:v13+s23+$0x0] =	vst.idx.add.f32.msk $0xffff, v12  }
0x81: {  	[tilespmem:v15+s23+$0x0] =	vst.idx.add.f32.msk $0xffff, v14;
	v14 =	vor.u32 v2, v23  }
0x82: {  	v26 =	vor.u32 v2, v25;
	v15 =	vld [tilespmem:s7+$0x40]  }
0x83: {  	[tilespmem:v17+s23+$0x0] =	vst.idx.add.f32.msk $0xffff, v16  }
0x84: {  	v21 =	vld [tilespmem:s7+$0xFFFFFF10]  }
0x85: {  	v8 =	vor.u32 v5, v8;
	v9 =	vld [tilespmem:s7+$0xF0]  }
0x86: {  	[tilespmem:v14+s23+$0x0] =	vst.idx.add.f32.msk $0xffff, v19  }
0x87: {  	[tilespmem:v26+s23+$0x0] =	vst.idx.add.f32.msk $0xffff, v15  }
0x88: {  	v15 =	vld [tilespmem:s7+$0x10]  }
0x89: {  	v19 =	vld [tilespmem:s7+$0x90]  }
0x8a: {  	v18 =	vor.u32 v3, v6;
	[tilespmem:v8+s23+$0x0] =	vst.idx.add.f32.msk $0xffff, v9  }
0x8b: {  	v22 =	vor.u32 v3, v11;
	v8 =	vld [tilespmem:s7+$0xFFFFFF50]  }
0x8c: {  	v12 =	vor.u32 v3, v10;
	v9 =	vld [tilespmem:s7+$0xFFFFFF90]  }
0x8d: {  	v14 =	vor.u32 v3, v7;
	v13 =	vld [tilespmem:s7+$0xFFFFFFD0]  }
0x8e: {  	v16 =	vor.u32 v3, v23;
	v17 =	vld [tilespmem:s7+$0x50]  }
0x8f: {  	v20 =	vor.u32 v3, v25;
	[tilespmem:v18+s23+$0x0] =	vst.idx.add.f32.msk $0xffff, v15  }
0x90: {  	[tilespmem:v22+s23+$0x0] =	vst.idx.add.f32.msk $0xffff, v19  }
0x91: {  	[tilespmem:v12+s23+$0x0] =	vst.idx.add.f32.msk $0xffff, v8  }
0x92: {  	[tilespmem:v14+s23+$0x0] =	vst.idx.add.f32.msk $0xffff, v9  }
0x93: {  	v8 =	vor.u32 v3, v27;
	[tilespmem:v16+s23+$0x0] =	vst.idx.add.f32.msk $0xffff, v13  }
0x94: {  	[tilespmem:v20+s23+$0x0] =	vst.idx.add.f32.msk $0xffff, v17  }
0x95: {  	v20 =	vld [tilespmem:s7+$0x20]  }
0x96: {  	v18 =	vld [tilespmem:s7+$0xA0]  }
0x97: {  	v62 =	vld [tilespmem:s7+$0xFFFFFFE0]  }
0x98: {  	v28 =	vor.u32 v4, v23;
	[tilespmem:v8+s23+$0x0] =	vst.idx.add.f32.msk $0xffff, v21  }
0x99: {  	v22 =	vor.u32 v4, v10;
	v8 =	vld [tilespmem:s7+$0xFFFFFF60]  }
0x9a: {  	v63 =	vor.u32 v4, v7;
	v21 =	vld [tilespmem:s7+$0xFFFFFFA0]  }
0x9b: {  	v15 =	vor.u32 v4, v11;
	v14 =	vor.u32 v4, v6;
	v19 =	vld [tilespmem:s7+$0x60]  }
0x9c: {  	v11 =	vor.u32 v5, v11;
	v16 =	vor.u32 v4, v25;
	v13 =	vor.u32 v4, v27;
	v17 =	vld [tilespmem:s7+$0xFFFFFF20]  }
0x9d: {  	v12 =	vor.u32 v5, v10;
	v9 =	vor.u32 v5, v7;
	[tilespmem:v28+s23+$0x0] =	vst.idx.add.f32.msk $0xffff, v62  }
0x9e: {  	v10 =	vor.u32 v5, v23;
	v7 =	vor.u32 v5, v25;
	[tilespmem:v22+s23+$0x0] =	vst.idx.add.f32.msk $0xffff, v8  }
0x9f: {  	s8 =	simm.s32 $0x0;
	s1 =	sshll.u32 s30, $0x2;
	v8 =	vor.u32 v5, v6;
	[tilespmem:v63+s23+$0x0] =	vst.idx.add.f32.msk $0xffff, v21;
	v6 =	vor.u32 v5, v27  }
.LBB2_5:
0xa0: {  	s9 =	sadd.s32 s8, s29;
	s8 =	sadd.s32 $0x8, s8;
	[tilespmem:v14+s23+$0x0] =	vst.idx.add.f32.msk $0xffff, v20  }
0xa1: {  	s13 =	sadd.s32 $0x9, s9;
	s14 =	sadd.s32 $0xF, s9;
	p1 =	slt.u32 s8, $0x38;
	[tilespmem:v16+s23+$0x0] =	vst.idx.add.f32.msk $0xffff, v19  }
0xa2: {  	s15 =	sadd.s32 $0xB, s9;
	s6 =	sadd.s32 $0xC, s9;
	v14 =	vmov s13;
	s13 =	sadd.s32 $0xA, s9;
	v16 =	vmov s14;
	[tilespmem:v15+s23+$0x0] =	vst.idx.add.f32.msk $0xffff, v18  }
0xa3: {  	s14 =	sadd.s32 $0x8, s9;
	v18 =	vmov s15;
	v15 =	vmov s13;
	s13 =	sadd.s32 $0xD, s9;
	s9 =	sadd.s32 $0xE, s9;
	v16 =	vshrl.u32 v16, $0x3;
	[tilespmem:v13+s23+$0x0] =	vst.idx.add.f32.msk $0xffff, v17  }
0xa4: {  	v13 =	vmov s6;
	v17 =	vmov s13;
	v16 =	vshll.u32 v16, v1;
	v19 =	vld [tilespmem:s7+$0xFFFFFF70]  }
0xa5: {  	v14 =	vshrl.u32 v14, $0x3;
	v20 =	vmov s9;
	v16 =	vadd.s32 $0x7, v16;
	v21 =	vld [tilespmem:s7+$0xFFFFFFB0]  }
0xa6: {  	v18 =	vshrl.u32 v18, $0x3;
	v15 =	vshrl.u32 v15, $0x3;
	v16 =	vbroadcast v16, $0x0;
	v22 =	vld [tilespmem:s7+$0xFFFFFFF0]  }
0xa7: {  	v13 =	vshrl.u32 v13, $0x3;
	v17 =	vshrl.u32 v17, $0x3;
	v20 =	vshrl.u32 v20, $0x3;
	v23 =	vld [tilespmem:s7+$0x30]  }
0xa8: {  	v24 =	vmov s14;
	v14 =	vshll.u32 v14, v1;
	v15 =	vshll.u32 v15, v1;
	v25 =	vld [tilespmem:s7+$0x70]  }
0xa9: {  	v18 =	vshll.u32 v18, v1;
	v13 =	vshll.u32 v13, v1;
	v17 =	vshll.u32 v17, v1;
	v26 =	vld [tilespmem:s7+$0xB0]  }
0xaa: {  	v24 =	vshrl.u32 v24, $0x3;
	v14 =	vadd.s32 $0x1, v14;
	v20 =	vshll.u32 v20, v1;
	v27 =	vld [tilespmem:s7+$0xFFFFFF30]  }
0xab: {  	v18 =	vadd.s32 $0x3, v18;
	v15 =	vadd.s32 $0x2, v15;
	v13 =	vadd.s32 $0x4, v13;
	[tilespmem:v12+s23+$0x0] =	vst.idx.add.f32.msk $0xffff, v19  }
0xac: {  	v17 =	vadd.s32 $0x5, v17;
	v12 =	vshll.u32 v24, v1;
	v19 =	vadd.s32 $0x6, v20;
	v16 =	vld.idx.msk [tilespmem:v16+s2+$0x0], $0xffff  }
0xad: {  	v14 =	vbroadcast v14, $0x0;
	v15 =	vbroadcast v15, $0x0;
	[tilespmem:v9+s23+$0x0] =	vst.idx.add.f32.msk $0xffff, v21  }
0xae: {  	v13 =	vbroadcast v13, $0x0;
	v9 =	vbroadcast v18, $0x0;
	[tilespmem:v10+s23+$0x0] =	vst.idx.add.f32.msk $0xffff, v22  }
0xaf: {  	v10 =	vbroadcast v17, $0x0;
	v17 =	vbroadcast v19, $0x0;
	[tilespmem:v8+s23+$0x0] =	vst.idx.add.f32.msk $0xffff, v23  }
0xb0: {  	v8 =	vbroadcast v12, $0x0;
	[tilespmem:v7+s23+$0x0] =	vst.idx.add.f32.msk $0xffff, v25  }
0xb1: {  	[tilespmem:v11+s23+$0x0] =	vst.idx.add.f32.msk $0xffff, v26  }
0xb2: {  	s7 =	sadd.s32 $0x200, s7;
	v7 =	vshll.u32 v16, $0x6;
	[tilespmem:v6+s23+$0x0] =	vst.idx.add.f32.msk $0xffff, v27  }
0xb3: {  	v11 =	vor.u32 v2, v7;
	v6 =	vld [tilespmem:s7+$0xC0]  }
0xb4: {  	v12 =	vld.idx.msk [tilespmem:v14+s2+$0x0], $0xffff  }
0xb5: {  	v14 =	vld.idx.msk [tilespmem:v15+s2+$0x0], $0xffff  }
0xb6: {  	v9 =	vld.idx.msk [tilespmem:v9+s2+$0x0], $0xffff  }
0xb7: {  	v13 =	vld.idx.msk [tilespmem:v13+s2+$0x0], $0xffff  }
0xb8: {  	[tilespmem:v11+s23+$0x0] =	vst.idx.add.f32.msk $0xffff, v6  }
0xb9: {  	v11 =	vor.u32 v3, v7;
	v6 =	vld [tilespmem:s7+$0xD0]  }
0xba: {  	v12 =	vshll.u32 v12, $0x6;
	v10 =	vld.idx.msk [tilespmem:v10+s2+$0x0], $0xffff  }
0xbb: {  	v18 =	vor.u32 v2, v12;
	v19 =	vor.u32 v3, v12;
	v20 =	vshll.u32 v14, $0x6;
	v15 =	vld.idx.msk [tilespmem:v17+s2+$0x0], $0xffff  }
0xbc: {  	v17 =	vor.u32 v2, v20;
	v21 =	vor.u32 v3, v20;
	v22 =	vshll.u32 v9, $0x6;
	v8 =	vld.idx.msk [tilespmem:v8+s2+$0x0], $0xffff  }
0xbd: {  	v24 =	vor.u32 v2, v22;
	v25 =	vor.u32 v3, v22;
	v26 =	vshll.u32 v13, $0x6;
	v23 =	vld [tilespmem:s7+$0xFFFFFF00]  }
0xbe: {  	v27 =	vor.u32 v2, v26;
	v28 =	vor.u32 v3, v26;
	[tilespmem:v11+s23+$0x0] =	vst.idx.add.f32.msk $0xffff, v6  }
0xbf: {  	v29 =	vor.u32 v4, v12;
	v30 =	vor.u32 v4, v20;
	v9 =	vor.u32 v4, v7;
	v6 =	vld [tilespmem:s7+$0xE0]  }
0xc0: {  	v32 =	vor.u32 v4, v22;
	v14 =	vor.u32 v4, v26;
	v11 =	vshll.u32 v10, $0x6;
	v31 =	vld [tilespmem:s7+$0xFFFFFF40]  }
0xc1: {  	v34 =	vor.u32 v2, v11;
	v35 =	vor.u32 v3, v11;
	v36 =	vshll.u32 v15, $0x6;
	v33 =	vld [tilespmem:s7+$0xFFFFFF80]  }
0xc2: {  	v37 =	vshll.u32 v8, $0x6;
	v39 =	vor.u32 v2, v36;
	v40 =	vor.u32 v3, v36;
	v38 =	vld [tilespmem:s7+$0xFFFFFFC0]  }
0xc3: {  	v16 =	vor.u32 v4, v11;
	v41 =	vor.u32 v2, v37;
	v42 =	vor.u32 v3, v37;
	v43 =	vld [tilespmem:s7+$0x0]  }
0xc4: {  	v15 =	vor.u32 v4, v36;
	v13 =	vor.u32 v4, v37;
	[tilespmem:v9+s23+$0x0] =	vst.idx.add.f32.msk $0xffff, v6  }
0xc5: {  	v44 =	vor.u32 v5, v7;
	v12 =	vor.u32 v5, v12;
	v9 =	vor.u32 v5, v20;
	v20 =	vld [tilespmem:s7+$0xF0]  }
0xc6: {  	v10 =	vor.u32 v5, v22;
	v7 =	vor.u32 v5, v11;
	v8 =	vor.u32 v5, v26;
	v22 =	vld [tilespmem:s7+$0x40]  }
0xc7: {  	v11 =	vor.u32 v5, v36;
	v6 =	vor.u32 v5, v37;
	v26 =	vld [tilespmem:s7+$0x80]  }
0xc8: {  	[tilespmem:v18+s23+$0x0] =	vst.idx.add.f32.msk $0xffff, v31  }
0xc9: {  	[tilespmem:v17+s23+$0x0] =	vst.idx.add.f32.msk $0xffff, v33  }
0xca: {  	[tilespmem:v44+s23+$0x0] =	vst.idx.add.f32.msk $0xffff, v20  }
0xcb: {  	[tilespmem:v24+s23+$0x0] =	vst.idx.add.f32.msk $0xffff, v38  }
0xcc: {  	[tilespmem:v27+s23+$0x0] =	vst.idx.add.f32.msk $0xffff, v43  }
0xcd: {  	[tilespmem:v34+s23+$0x0] =	vst.idx.add.f32.msk $0xffff, v22  }
0xce: {  	[tilespmem:v39+s23+$0x0] =	vst.idx.add.f32.msk $0xffff, v26  }
0xcf: {  	[tilespmem:v41+s23+$0x0] =	vst.idx.add.f32.msk $0xffff, v23  }
0xd0: {  	v17 =	vld [tilespmem:s7+$0xFFFFFF50]  }
0xd1: {  	v18 =	vld [tilespmem:s7+$0xFFFFFF90]  }
0xd2: {  	v20 =	vld [tilespmem:s7+$0xFFFFFFD0]  }
0xd3: {  	v22 =	vld [tilespmem:s7+$0x10]  }
0xd4: {  	v23 =	vld [tilespmem:s7+$0x50]  }
0xd5: {  	v24 =	vld [tilespmem:s7+$0x90]  }
0xd6: {  	v26 =	vld [tilespmem:s7+$0xFFFFFF10]  }
0xd7: {  	[tilespmem:v19+s23+$0x0] =	vst.idx.add.f32.msk $0xffff, v17  }
0xd8: {  	[tilespmem:v21+s23+$0x0] =	vst.idx.add.f32.msk $0xffff, v18  }
0xd9: {  	[tilespmem:v25+s23+$0x0] =	vst.idx.add.f32.msk $0xffff, v20  }
0xda: {  	[tilespmem:v28+s23+$0x0] =	vst.idx.add.f32.msk $0xffff, v22  }
0xdb: {  	[tilespmem:v35+s23+$0x0] =	vst.idx.add.f32.msk $0xffff, v23  }
0xdc: {  	[tilespmem:v40+s23+$0x0] =	vst.idx.add.f32.msk $0xffff, v24  }
0xdd: {  	[tilespmem:v42+s23+$0x0] =	vst.idx.add.f32.msk $0xffff, v26  }
0xde: {  	v21 =	vld [tilespmem:s7+$0xFFFFFF60]  }
0xdf: {  	v22 =	vld [tilespmem:s7+$0xFFFFFFA0]  }
0xe0: {  	v23 =	vld [tilespmem:s7+$0xFFFFFFE0]  }
0xe1: {  	v20 =	vld [tilespmem:s7+$0x20]  }
0xe2: {  	v19 =	vld [tilespmem:s7+$0x60]  }
.Ltmp1:
0xe3: {  	v18 =	vld [tilespmem:s7+$0xA0];
	(pc) =	sbr.rel @p1 .LBB2_5-.Ltmp1, $4  }
0xe4: {  	v17 =	vld [tilespmem:s7+$0xFFFFFF20]  }
0xe5: {  	[tilespmem:v29+s23+$0x0] =	vst.idx.add.f32.msk $0xffff, v21  }
0xe6: {  	[tilespmem:v30+s23+$0x0] =	vst.idx.add.f32.msk $0xffff, v22  }
0xe7: {  	[tilespmem:v32+s23+$0x0] =	vst.idx.add.f32.msk $0xffff, v23  }
0xe8: {  	_ =	sdelay $0x3  }
0xe9: {  	[tilespmem:v14+s23+$0x0] =	vst.idx.add.f32.msk $0xffff, v20  }
0xea: {  	[tilespmem:v16+s23+$0x0] =	vst.idx.add.f32.msk $0xffff, v19  }
0xeb: {  	[tilespmem:v15+s23+$0x0] =	vst.idx.add.f32.msk $0xffff, v18  }
0xec: {  	v14 =	vld [tilespmem:s7+$0xFFFFFFB0]  }
0xed: {  	v15 =	vld [tilespmem:s7+$0xFFFFFFF0]  }
0xee: {  	[tilespmem:v13+s23+$0x0] =	vst.idx.add.f32.msk $0xffff, v17  }
0xef: {  	v13 =	vld [tilespmem:s7+$0xFFFFFF70]  }
0xf0: {  	v16 =	vld [tilespmem:s7+$0x30]  }
0xf1: {  	v17 =	vld [tilespmem:s7+$0x70]  }
0xf2: {  	v18 =	vld [tilespmem:s7+$0xB0]  }
0xf3: {  	v19 =	vld [tilespmem:s7+$0xFFFFFF30]  }
0xf4: {  	[tilespmem:v9+s23+$0x0] =	vst.idx.add.f32.msk $0xffff, v14  }
0xf5: {  	[tilespmem:v10+s23+$0x0] =	vst.idx.add.f32.msk $0xffff, v15  }
0xf6: {  	[tilespmem:v12+s23+$0x0] =	vst.idx.add.f32.msk $0xffff, v13  }
0xf7: {  	[tilespmem:v8+s23+$0x0] =	vst.idx.add.f32.msk $0xffff, v16  }
0xf8: {  	[tilespmem:v7+s23+$0x0] =	vst.idx.add.f32.msk $0xffff, v17  }
0xf9: {  	s6 =	smin.u32 s1, $0x7B;
	[tilespmem:v11+s23+$0x0] =	vst.idx.add.f32.msk $0xffff, v18  }
0xfa: {  	s6 =	sshll.u32 s6, $0xE;
	[tilespmem:v6+s23+$0x0] =	vst.idx.add.f32.msk $0xffff, v19  }
0xfb: {  	s6 =	sadd.s32 s6, s10;
	_ =	swait.ge [sflag:s24], $0x1000  }
0xfc: {  	s6 =	sshrl.u32 s6, $0x3;
	[sflag:s24] =	ssyncset.done $0x0  }
0xfd: {  	s6 =	sadd.s32 s3, s6;
	[sflag:s24] =	ssyncadd.s32 $0xFFFFF000  }
0xfe: {  	[tilespmem:s18], [sflag:$0x1] =	stream.strided.gather [hbm4b:s6+s16], $0x1000, s17, s16, $0x38;
	[tilespmem:$0x1F000] =	vst v63  }
0xff: {  	s6 =	sor.u32 $0x40, s0  }
0x100: {  	v6 =	vld @!p0 [tilespmem:s6+$0x0]  }
0x101: {  	v7 =	vld @!p0 [tilespmem:s6+$0x10];
	_ =	sdelay $0x3  }
0x102: {  	v8 =	vlaneseq.u32 @!p0;
	v6 =	vshll.u32 @!p0 v6, $0x4  }
0x103: {  	v7 =	vshll.u32 @!p0 v7, $0x4;
	v6 =	vor.u32 @!p0 v8, v6  }
0x104: {  	v7 =	vor.u32 @!p0 v8, v7;
	_ =	sdelay $0x2  }
0x105: {  	s7 =	simm.s32 @!p0 $0x1A000;
	v9 =	vimm.f32 @!p0 $1.000000000e+00  }
0x106: {  	[tilespmem:v6+s7+$0x0] =	vst.idx.add.f32.msk @!p0 $0xffff, v9  }
0x107: {  	[tilespmem:v7+s7+$0x0] =	vst.idx.add.f32.msk @!p0 $0xffff, v9  }
0x108: {  	v6 =	vld @!p0 [tilespmem:s6+$0x20]  }
0x109: {  	v7 =	vld @!p0 [tilespmem:s6+$0x30];
	s6 =	sadd.s32 $0xFFFFFFF8, s29  }
0x10a: {  	s8 =	sadd.s32 $0x4F, s6  }
0x10b: {  	v10 =	vmov s8  }
0x10c: {  	v10 =	vshrl.u32 v10, $0x3  }
0x10d: {  	v10 =	vshll.u32 v10, v1;
	v6 =	vshll.u32 @!p0 v6, $0x4  }
0x10e: {  	s14 =	sadd.s32 $0x49, s6;
	v7 =	vshll.u32 @!p0 v7, $0x4;
	v10 =	vadd.s32 $0x7, v10;
	v6 =	vor.u32 @!p0 v8, v6  }
0x10f: {  	v7 =	vor.u32 @!p0 v8, v7;
	v8 =	vbroadcast v10, $0x0;
	v10 =	vmov s14  }
0x110: {  	v10 =	vshrl.u32 v10, $0x3  }
0x111: {  	s9 =	sadd.s32 $0x4A, s6;
	v10 =	vshll.u32 v10, v1  }
0x112: {  	s13 =	sadd.s32 $0x4B, s6;
	v11 =	vmov s9;
	s14 =	sadd.s32 $0x4D, s6;
	v10 =	vadd.s32 $0x1, v10  }
0x113: {  	s15 =	sadd.s32 $0x4C, s6;
	v12 =	vmov s13;
	v13 =	vmov s14;
	v10 =	vbroadcast v10, $0x0;
	[tilespmem:v6+s7+$0x0] =	vst.idx.add.f32.msk @!p0 $0xffff, v9  }
0x114: {  	v6 =	vmov s15;
	[tilespmem:v7+s7+$0x0] =	vst.idx.add.f32.msk @!p0 $0xffff, v9;
	v7 =	vshrl.u32 v11, $0x3;
	v9 =	vshrl.u32 v12, $0x3  }
0x115: {  	s15 =	sadd.s32 $0x4E, s6;
	s6 =	sadd.s32 $0x48, s6;
	v12 =	vshrl.u32 v13, $0x3;
	s7 =	simm.s32 $0x3100;
	v6 =	vshrl.u32 v6, $0x3;
	v7 =	vshll.u32 v7, v1;
	v8 =	vld.idx.msk [tilespmem:v8+s2+$0x0], $0xffff  }
0x116: {  	v13 =	vmov s6;
	v14 =	vld [tilespmem:s7+$0xC0];
	v7 =	vadd.s32 $0x2, v7;
	v6 =	vshll.u32 v6, v1  }
0x117: {  	v16 =	vld [tilespmem:s7+$0xFFFFFF00];
	v13 =	vshrl.u32 v13, $0x3;
	v7 =	vbroadcast v7, $0x0;
	v6 =	vadd.s32 $0x4, v6  }
0x118: {  	v17 =	vld [tilespmem:s7+$0xFFFFFF40];
	v13 =	vshll.u32 v13, v1;
	v6 =	vbroadcast v6, $0x0  }
0x119: {  	v11 =	vmov s15;
	v18 =	vld [tilespmem:s7+$0xFFFFFF80];
	v13 =	vbroadcast v13, $0x0  }
0x11a: {  	v12 =	vshll.u32 v12, v1;
	v11 =	vshrl.u32 v11, $0x3;
	v10 =	vld.idx.msk [tilespmem:v10+s2+$0x0], $0xffff;
	v8 =	vshll.u32 v8, $0x6  }
0x11b: {  	v19 =	vld [tilespmem:s7+$0xFFFFFFC0];
	v12 =	vadd.s32 $0x5, v12;
	v11 =	vshll.u32 v11, v1;
	v15 =	vor.u32 v2, v8  }
0x11c: {  	v9 =	vshll.u32 v9, v1;
	v21 =	vld [tilespmem:s7+$0x0];
	v12 =	vbroadcast v12, $0x0;
	v11 =	vadd.s32 $0x6, v11  }
0x11d: {  	v9 =	vadd.s32 $0x3, v9;
	v11 =	vbroadcast v11, $0x0;
	v7 =	vld.idx.msk [tilespmem:v7+s2+$0x0], $0xffff  }
0x11e: {  	v9 =	vbroadcast v9, $0x0;
	v6 =	vld.idx.msk [tilespmem:v6+s2+$0x0], $0xffff  }
0x11f: {  	v13 =	vld.idx.msk [tilespmem:v13+s2+$0x0], $0xffff;
	v10 =	vshll.u32 v10, $0x6  }
0x120: {  	v20 =	vor.u32 v2, v10;
	[tilespmem:v15+s23+$0x0] =	vst.idx.add.f32.msk $0xffff, v14  }
0x121: {  	v15 =	vor.u32 v3, v8;
	v14 =	vld [tilespmem:s7+$0xD0]  }
0x122: {  	v12 =	vld.idx.msk [tilespmem:v12+s2+$0x0], $0xffff  }
0x123: {  	v11 =	vld.idx.msk [tilespmem:v11+s2+$0x0], $0xffff;
	v7 =	vshll.u32 v7, $0x6  }
0x124: {  	v9 =	vld.idx.msk [tilespmem:v9+s2+$0x0], $0xffff;
	v22 =	vor.u32 v2, v7;
	v6 =	vshll.u32 v6, $0x6  }
0x125: {  	v27 =	vshll.u32 v13, $0x6;
	v24 =	vor.u32 v2, v6;
	[tilespmem:v20+s23+$0x0] =	vst.idx.add.f32.msk $0xffff, v17  }
0x126: {  	v17 =	vor.u32 v2, v27;
	[tilespmem:v15+s23+$0x0] =	vst.idx.add.f32.msk $0xffff, v14  }
0x127: {  	v15 =	vor.u32 v4, v8;
	v14 =	vld [tilespmem:s7+$0xE0]  }
0x128: {  	v25 =	vshll.u32 v12, $0x6;
	v12 =	vld [tilespmem:s7+$0x80];
	v11 =	vshll.u32 v11, $0x6  }
0x129: {  	v13 =	vor.u32 v2, v11;
	[tilespmem:v22+s23+$0x0] =	vst.idx.add.f32.msk $0xffff, v18  }
0x12a: {  	[tilespmem:v24+s23+$0x0] =	vst.idx.add.f32.msk $0xffff, v21  }
0x12b: {  	v23 =	vshll.u32 v9, $0x6;
	[tilespmem:v17+s23+$0x0] =	vst.idx.add.f32.msk $0xffff, v16  }
0x12c: {  	[tilespmem:v15+s23+$0x0] =	vst.idx.add.f32.msk $0xffff, v14;
	v14 =	vor.u32 v2, v23  }
0x12d: {  	v26 =	vor.u32 v2, v25;
	v15 =	vld [tilespmem:s7+$0x40]  }
0x12e: {  	[tilespmem:v13+s23+$0x0] =	vst.idx.add.f32.msk $0xffff, v12  }
0x12f: {  	v21 =	vld [tilespmem:s7+$0xFFFFFF10]  }
0x130: {  	v8 =	vor.u32 v5, v8;
	v9 =	vld [tilespmem:s7+$0xF0]  }
0x131: {  	[tilespmem:v14+s23+$0x0] =	vst.idx.add.f32.msk $0xffff, v19  }
0x132: {  	[tilespmem:v26+s23+$0x0] =	vst.idx.add.f32.msk $0xffff, v15  }
0x133: {  	v15 =	vld [tilespmem:s7+$0x10]  }
0x134: {  	v19 =	vld [tilespmem:s7+$0x90]  }
0x135: {  	v18 =	vor.u32 v3, v6;
	[tilespmem:v8+s23+$0x0] =	vst.idx.add.f32.msk $0xffff, v9  }
0x136: {  	v22 =	vor.u32 v3, v11;
	v8 =	vld [tilespmem:s7+$0xFFFFFF50]  }
0x137: {  	v12 =	vor.u32 v3, v10;
	v9 =	vld [tilespmem:s7+$0xFFFFFF90]  }
0x138: {  	v14 =	vor.u32 v3, v7;
	v13 =	vld [tilespmem:s7+$0xFFFFFFD0]  }
0x139: {  	v16 =	vor.u32 v3, v23;
	v17 =	vld [tilespmem:s7+$0x50]  }
0x13a: {  	v20 =	vor.u32 v3, v25;
	[tilespmem:v18+s23+$0x0] =	vst.idx.add.f32.msk $0xffff, v15  }
0x13b: {  	[tilespmem:v22+s23+$0x0] =	vst.idx.add.f32.msk $0xffff, v19  }
0x13c: {  	[tilespmem:v12+s23+$0x0] =	vst.idx.add.f32.msk $0xffff, v8  }
0x13d: {  	[tilespmem:v14+s23+$0x0] =	vst.idx.add.f32.msk $0xffff, v9  }
0x13e: {  	v8 =	vor.u32 v3, v27;
	[tilespmem:v16+s23+$0x0] =	vst.idx.add.f32.msk $0xffff, v13  }
0x13f: {  	[tilespmem:v20+s23+$0x0] =	vst.idx.add.f32.msk $0xffff, v17  }
0x140: {  	v20 =	vld [tilespmem:s7+$0x20]  }
0x141: {  	v18 =	vld [tilespmem:s7+$0xA0]  }
0x142: {  	v62 =	vld [tilespmem:s7+$0xFFFFFFE0]  }
0x143: {  	v28 =	vor.u32 v4, v23;
	[tilespmem:v8+s23+$0x0] =	vst.idx.add.f32.msk $0xffff, v21  }
0x144: {  	v22 =	vor.u32 v4, v10;
	v8 =	vld [tilespmem:s7+$0xFFFFFF60]  }
0x145: {  	v63 =	vor.u32 v4, v7;
	v21 =	vld [tilespmem:s7+$0xFFFFFFA0]  }
0x146: {  	v15 =	vor.u32 v4, v11;
	v14 =	vor.u32 v4, v6;
	v19 =	vld [tilespmem:s7+$0x60]  }
0x147: {  	v11 =	vor.u32 v5, v11;
	v16 =	vor.u32 v4, v25;
	v13 =	vor.u32 v4, v27;
	v17 =	vld [tilespmem:s7+$0xFFFFFF20]  }
0x148: {  	v12 =	vor.u32 v5, v10;
	v9 =	vor.u32 v5, v7;
	[tilespmem:v28+s23+$0x0] =	vst.idx.add.f32.msk $0xffff, v62  }
0x149: {  	v10 =	vor.u32 v5, v23;
	v7 =	vor.u32 v5, v25;
	[tilespmem:v22+s23+$0x0] =	vst.idx.add.f32.msk $0xffff, v8  }
0x14a: {  	s8 =	simm.s32 $0x0;
	v8 =	vor.u32 v5, v6;
	[tilespmem:v63+s23+$0x0] =	vst.idx.add.f32.msk $0xffff, v21;
	v6 =	vor.u32 v5, v27  }
.LBB2_7:
0x14b: {  	s6 =	sadd.s32 s8, s29;
	s8 =	sadd.s32 $0x8, s8;
	[tilespmem:v14+s23+$0x0] =	vst.idx.add.f32.msk $0xffff, v20  }
0x14c: {  	s9 =	sadd.s32 $0x49, s6;
	s13 =	sadd.s32 $0x4F, s6;
	p1 =	slt.u32 s8, $0x38;
	[tilespmem:v16+s23+$0x0] =	vst.idx.add.f32.msk $0xffff, v19  }
0x14d: {  	s14 =	sadd.s32 $0x4B, s6;
	s15 =	sadd.s32 $0x4C, s6;
	v14 =	vmov s9;
	s9 =	sadd.s32 $0x4A, s6;
	v16 =	vmov s13;
	[tilespmem:v15+s23+$0x0] =	vst.idx.add.f32.msk $0xffff, v18  }
0x14e: {  	s13 =	sadd.s32 $0x48, s6;
	v18 =	vmov s14;
	v15 =	vmov s9;
	s9 =	sadd.s32 $0x4D, s6;
	s6 =	sadd.s32 $0x4E, s6;
	v16 =	vshrl.u32 v16, $0x3;
	[tilespmem:v13+s23+$0x0] =	vst.idx.add.f32.msk $0xffff, v17  }
0x14f: {  	v13 =	vmov s15;
	v17 =	vmov s9;
	v16 =	vshll.u32 v16, v1;
	v19 =	vld [tilespmem:s7+$0xFFFFFF70]  }
0x150: {  	v14 =	vshrl.u32 v14, $0x3;
	v20 =	vmov s6;
	v16 =	vadd.s32 $0x7, v16;
	v21 =	vld [tilespmem:s7+$0xFFFFFFB0]  }
0x151: {  	v18 =	vshrl.u32 v18, $0x3;
	v15 =	vshrl.u32 v15, $0x3;
	v16 =	vbroadcast v16, $0x0;
	v22 =	vld [tilespmem:s7+$0xFFFFFFF0]  }
0x152: {  	v13 =	vshrl.u32 v13, $0x3;
	v17 =	vshrl.u32 v17, $0x3;
	v20 =	vshrl.u32 v20, $0x3;
	v23 =	vld [tilespmem:s7+$0x30]  }
0x153: {  	v24 =	vmov s13;
	v14 =	vshll.u32 v14, v1;
	v15 =	vshll.u32 v15, v1;
	v25 =	vld [tilespmem:s7+$0x70]  }
0x154: {  	v18 =	vshll.u32 v18, v1;
	v13 =	vshll.u32 v13, v1;
	v17 =	vshll.u32 v17, v1;
	v26 =	vld [tilespmem:s7+$0xB0]  }
0x155: {  	v24 =	vshrl.u32 v24, $0x3;
	v14 =	vadd.s32 $0x1, v14;
	v20 =	vshll.u32 v20, v1;
	v27 =	vld [tilespmem:s7+$0xFFFFFF30]  }
0x156: {  	v18 =	vadd.s32 $0x3, v18;
	v15 =	vadd.s32 $0x2, v15;
	v13 =	vadd.s32 $0x4, v13;
	[tilespmem:v12+s23+$0x0] =	vst.idx.add.f32.msk $0xffff, v19  }
0x157: {  	v17 =	vadd.s32 $0x5, v17;
	v12 =	vshll.u32 v24, v1;
	v19 =	vadd.s32 $0x6, v20;
	v16 =	vld.idx.msk [tilespmem:v16+s2+$0x0], $0xffff  }
0x158: {  	v14 =	vbroadcast v14, $0x0;
	v15 =	vbroadcast v15, $0x0;
	[tilespmem:v9+s23+$0x0] =	vst.idx.add.f32.msk $0xffff, v21  }
0x159: {  	v13 =	vbroadcast v13, $0x0;
	v9 =	vbroadcast v18, $0x0;
	[tilespmem:v10+s23+$0x0] =	vst.idx.add.f32.msk $0xffff, v22  }
0x15a: {  	v10 =	vbroadcast v17, $0x0;
	v17 =	vbroadcast v19, $0x0;
	[tilespmem:v8+s23+$0x0] =	vst.idx.add.f32.msk $0xffff, v23  }
0x15b: {  	v8 =	vbroadcast v12, $0x0;
	[tilespmem:v7+s23+$0x0] =	vst.idx.add.f32.msk $0xffff, v25  }
0x15c: {  	[tilespmem:v11+s23+$0x0] =	vst.idx.add.f32.msk $0xffff, v26  }
0x15d: {  	s7 =	sadd.s32 $0x200, s7;
	v7 =	vshll.u32 v16, $0x6;
	[tilespmem:v6+s23+$0x0] =	vst.idx.add.f32.msk $0xffff, v27  }
0x15e: {  	v11 =	vor.u32 v2, v7;
	v6 =	vld [tilespmem:s7+$0xC0]  }
0x15f: {  	v12 =	vld.idx.msk [tilespmem:v14+s2+$0x0], $0xffff  }
0x160: {  	v14 =	vld.idx.msk [tilespmem:v15+s2+$0x0], $0xffff  }
0x161: {  	v9 =	vld.idx.msk [tilespmem:v9+s2+$0x0], $0xffff  }
0x162: {  	v13 =	vld.idx.msk [tilespmem:v13+s2+$0x0], $0xffff  }
0x163: {  	[tilespmem:v11+s23+$0x0] =	vst.idx.add.f32.msk $0xffff, v6  }
0x164: {  	v11 =	vor.u32 v3, v7;
	v6 =	vld [tilespmem:s7+$0xD0]  }
0x165: {  	v12 =	vshll.u32 v12, $0x6;
	v10 =	vld.idx.msk [tilespmem:v10+s2+$0x0], $0xffff  }
0x166: {  	v18 =	vor.u32 v2, v12;
	v19 =	vor.u32 v3, v12;
	v20 =	vshll.u32 v14, $0x6;
	v15 =	vld.idx.msk [tilespmem:v17+s2+$0x0], $0xffff  }
0x167: {  	v17 =	vor.u32 v2, v20;
	v21 =	vor.u32 v3, v20;
	v22 =	vshll.u32 v9, $0x6;
	v8 =	vld.idx.msk [tilespmem:v8+s2+$0x0], $0xffff  }
0x168: {  	v24 =	vor.u32 v2, v22;
	v25 =	vor.u32 v3, v22;
	v26 =	vshll.u32 v13, $0x6;
	v23 =	vld [tilespmem:s7+$0xFFFFFF00]  }
0x169: {  	v27 =	vor.u32 v2, v26;
	v28 =	vor.u32 v3, v26;
	[tilespmem:v11+s23+$0x0] =	vst.idx.add.f32.msk $0xffff, v6  }
0x16a: {  	v29 =	vor.u32 v4, v12;
	v30 =	vor.u32 v4, v20;
	v9 =	vor.u32 v4, v7;
	v6 =	vld [tilespmem:s7+$0xE0]  }
0x16b: {  	v32 =	vor.u32 v4, v22;
	v14 =	vor.u32 v4, v26;
	v11 =	vshll.u32 v10, $0x6;
	v31 =	vld [tilespmem:s7+$0xFFFFFF40]  }
0x16c: {  	v34 =	vor.u32 v2, v11;
	v35 =	vor.u32 v3, v11;
	v36 =	vshll.u32 v15, $0x6;
	v33 =	vld [tilespmem:s7+$0xFFFFFF80]  }
0x16d: {  	v37 =	vshll.u32 v8, $0x6;
	v39 =	vor.u32 v2, v36;
	v40 =	vor.u32 v3, v36;
	v38 =	vld [tilespmem:s7+$0xFFFFFFC0]  }
0x16e: {  	v16 =	vor.u32 v4, v11;
	v41 =	vor.u32 v2, v37;
	v42 =	vor.u32 v3, v37;
	v43 =	vld [tilespmem:s7+$0x0]  }
0x16f: {  	v15 =	vor.u32 v4, v36;
	v13 =	vor.u32 v4, v37;
	[tilespmem:v9+s23+$0x0] =	vst.idx.add.f32.msk $0xffff, v6  }
0x170: {  	v44 =	vor.u32 v5, v7;
	v12 =	vor.u32 v5, v12;
	v9 =	vor.u32 v5, v20;
	v20 =	vld [tilespmem:s7+$0xF0]  }
0x171: {  	v10 =	vor.u32 v5, v22;
	v7 =	vor.u32 v5, v11;
	v8 =	vor.u32 v5, v26;
	v22 =	vld [tilespmem:s7+$0x40]  }
0x172: {  	v11 =	vor.u32 v5, v36;
	v6 =	vor.u32 v5, v37;
	v26 =	vld [tilespmem:s7+$0x80]  }
0x173: {  	[tilespmem:v18+s23+$0x0] =	vst.idx.add.f32.msk $0xffff, v31  }
0x174: {  	[tilespmem:v17+s23+$0x0] =	vst.idx.add.f32.msk $0xffff, v33  }
0x175: {  	[tilespmem:v44+s23+$0x0] =	vst.idx.add.f32.msk $0xffff, v20  }
0x176: {  	[tilespmem:v24+s23+$0x0] =	vst.idx.add.f32.msk $0xffff, v38  }
0x177: {  	[tilespmem:v27+s23+$0x0] =	vst.idx.add.f32.msk $0xffff, v43  }
0x178: {  	[tilespmem:v34+s23+$0x0] =	vst.idx.add.f32.msk $0xffff, v22  }
0x179: {  	[tilespmem:v39+s23+$0x0] =	vst.idx.add.f32.msk $0xffff, v26  }
0x17a: {  	[tilespmem:v41+s23+$0x0] =	vst.idx.add.f32.msk $0xffff, v23  }
0x17b: {  	v17 =	vld [tilespmem:s7+$0xFFFFFF50]  }
0x17c: {  	v18 =	vld [tilespmem:s7+$0xFFFFFF90]  }
0x17d: {  	v20 =	vld [tilespmem:s7+$0xFFFFFFD0]  }
0x17e: {  	v22 =	vld [tilespmem:s7+$0x10]  }
0x17f: {  	v23 =	vld [tilespmem:s7+$0x50]  }
0x180: {  	v24 =	vld [tilespmem:s7+$0x90]  }
0x181: {  	v26 =	vld [tilespmem:s7+$0xFFFFFF10]  }
0x182: {  	[tilespmem:v19+s23+$0x0] =	vst.idx.add.f32.msk $0xffff, v17  }
0x183: {  	[tilespmem:v21+s23+$0x0] =	vst.idx.add.f32.msk $0xffff, v18  }
0x184: {  	[tilespmem:v25+s23+$0x0] =	vst.idx.add.f32.msk $0xffff, v20  }
0x185: {  	[tilespmem:v28+s23+$0x0] =	vst.idx.add.f32.msk $0xffff, v22  }
0x186: {  	[tilespmem:v35+s23+$0x0] =	vst.idx.add.f32.msk $0xffff, v23  }
0x187: {  	[tilespmem:v40+s23+$0x0] =	vst.idx.add.f32.msk $0xffff, v24  }
0x188: {  	[tilespmem:v42+s23+$0x0] =	vst.idx.add.f32.msk $0xffff, v26  }
0x189: {  	v21 =	vld [tilespmem:s7+$0xFFFFFF60]  }
0x18a: {  	v22 =	vld [tilespmem:s7+$0xFFFFFFA0]  }
0x18b: {  	v23 =	vld [tilespmem:s7+$0xFFFFFFE0]  }
0x18c: {  	v20 =	vld [tilespmem:s7+$0x20]  }
0x18d: {  	v19 =	vld [tilespmem:s7+$0x60]  }
.Ltmp2:
0x18e: {  	v18 =	vld [tilespmem:s7+$0xA0];
	(pc) =	sbr.rel @p1 .LBB2_7-.Ltmp2, $4  }
0x18f: {  	v17 =	vld [tilespmem:s7+$0xFFFFFF20]  }
0x190: {  	[tilespmem:v29+s23+$0x0] =	vst.idx.add.f32.msk $0xffff, v21  }
0x191: {  	[tilespmem:v30+s23+$0x0] =	vst.idx.add.f32.msk $0xffff, v22  }
0x192: {  	[tilespmem:v32+s23+$0x0] =	vst.idx.add.f32.msk $0xffff, v23  }
0x193: {  	_ =	sdelay $0x3  }
0x194: {  	[tilespmem:v14+s23+$0x0] =	vst.idx.add.f32.msk $0xffff, v20  }
0x195: {  	[tilespmem:v16+s23+$0x0] =	vst.idx.add.f32.msk $0xffff, v19  }
0x196: {  	[tilespmem:v15+s23+$0x0] =	vst.idx.add.f32.msk $0xffff, v18  }
0x197: {  	v14 =	vld [tilespmem:s7+$0xFFFFFFB0]  }
0x198: {  	v15 =	vld [tilespmem:s7+$0xFFFFFFF0]  }
0x199: {  	[tilespmem:v13+s23+$0x0] =	vst.idx.add.f32.msk $0xffff, v17  }
0x19a: {  	v13 =	vld [tilespmem:s7+$0xFFFFFF70]  }
0x19b: {  	v16 =	vld [tilespmem:s7+$0x30]  }
0x19c: {  	v17 =	vld [tilespmem:s7+$0x70]  }
0x19d: {  	v18 =	vld [tilespmem:s7+$0xB0]  }
0x19e: {  	v19 =	vld [tilespmem:s7+$0xFFFFFF30]  }
0x19f: {  	[tilespmem:v9+s23+$0x0] =	vst.idx.add.f32.msk $0xffff, v14  }
0x1a0: {  	[tilespmem:v10+s23+$0x0] =	vst.idx.add.f32.msk $0xffff, v15  }
0x1a1: {  	[tilespmem:v12+s23+$0x0] =	vst.idx.add.f32.msk $0xffff, v13  }
0x1a2: {  	[tilespmem:v8+s23+$0x0] =	vst.idx.add.f32.msk $0xffff, v16  }
0x1a3: {  	[tilespmem:v7+s23+$0x0] =	vst.idx.add.f32.msk $0xffff, v17  }
0x1a4: {  	s6 =	smin.u32 s1, $0x7A;
	[tilespmem:v11+s23+$0x0] =	vst.idx.add.f32.msk $0xffff, v18  }
0x1a5: {  	s6 =	sshll.u32 s6, $0xE;
	[tilespmem:v6+s23+$0x0] =	vst.idx.add.f32.msk $0xffff, v19  }
0x1a6: {  	s6 =	sadd.s32 s6, s11;
	_ =	swait.ge [sflag:s25], $0x1000  }
0x1a7: {  	s6 =	sshrl.u32 s6, $0x3;
	[sflag:s25] =	ssyncset.done $0x0  }
0x1a8: {  	s0 =	sor.u32 $0x80, s0;
	s6 =	sadd.s32 s3, s6;
	[sflag:s25] =	ssyncadd.s32 $0xFFFFF000  }
0x1a9: {  	[tilespmem:s19], [sflag:$0x2] =	stream.strided.gather [hbm4b:s6+s16], $0x1000, s17, s16, $0x38;
	[tilespmem:$0x1F000] =	vst v63  }
0x1aa: {  	v6 =	vld @!p0 [tilespmem:s0+$0x0]  }
0x1ab: {  	v7 =	vld @!p0 [tilespmem:s0+$0x10];
	_ =	sdelay $0x3  }
0x1ac: {  	v8 =	vlaneseq.u32 @!p0;
	v6 =	vshll.u32 @!p0 v6, $0x4  }
0x1ad: {  	v7 =	vshll.u32 @!p0 v7, $0x4;
	v6 =	vor.u32 @!p0 v8, v6  }
0x1ae: {  	v7 =	vor.u32 @!p0 v8, v7;
	_ =	sdelay $0x2  }
0x1af: {  	v9 =	vimm.f32 @!p0 $1.000000000e+00;
	s6 =	simm.s32 @!p0 $0x1A000  }
0x1b0: {  	[tilespmem:v6+s6+$0x0] =	vst.idx.add.f32.msk @!p0 $0xffff, v9  }
0x1b1: {  	[tilespmem:v7+s6+$0x0] =	vst.idx.add.f32.msk @!p0 $0xffff, v9  }
0x1b2: {  	v6 =	vld @!p0 [tilespmem:s0+$0x20]  }
0x1b3: {  	v7 =	vld @!p0 [tilespmem:s0+$0x30]  }
0x1b4: {  	s0 =	sadd.s32 $0xFFFFFFF8, s29  }
0x1b5: {  	s13 =	sadd.s32 $0x8F, s0  }
0x1b6: {  	v10 =	vmov s13  }
0x1b7: {  	v10 =	vshrl.u32 v10, $0x3;
	v6 =	vshll.u32 @!p0 v6, $0x4  }
0x1b8: {  	v10 =	vshll.u32 v10, v1;
	v7 =	vshll.u32 @!p0 v7, $0x4;
	v6 =	vor.u32 @!p0 v8, v6  }
0x1b9: {  	s14 =	sadd.s32 $0x89, s0;
	v10 =	vadd.s32 $0x7, v10;
	v7 =	vor.u32 @!p0 v8, v7  }
0x1ba: {  	v8 =	vbroadcast v10, $0x0;
	v10 =	vmov s14  }
0x1bb: {  	s8 =	sadd.s32 $0x8A, s0;
	v10 =	vshrl.u32 v10, $0x3  }
0x1bc: {  	s9 =	sadd.s32 $0x8B, s0;
	v11 =	vmov s8;
	s13 =	sadd.s32 $0x8D, s0;
	v10 =	vshll.u32 v10, v1  }
0x1bd: {  	s15 =	sadd.s32 $0x8C, s0;
	v12 =	vmov s9;
	v13 =	vmov s13;
	v10 =	vadd.s32 $0x1, v10;
	[tilespmem:v6+s6+$0x0] =	vst.idx.add.f32.msk @!p0 $0xffff, v9  }
0x1be: {  	s14 =	sadd.s32 $0x8E, s0;
	v10 =	vbroadcast v10, $0x0;
	v6 =	vmov s15;
	[tilespmem:v7+s6+$0x0] =	vst.idx.add.f32.msk @!p0 $0xffff, v9;
	v7 =	vshrl.u32 v11, $0x3  }
0x1bf: {  	v9 =	vshrl.u32 v12, $0x3;
	v11 =	vmov s14;
	v12 =	vshrl.u32 v13, $0x3  }
0x1c0: {  	s15 =	sadd.s32 $0x88, s0;
	v6 =	vshrl.u32 v6, $0x3;
	v7 =	vshll.u32 v7, v1;
	v11 =	vshrl.u32 v11, $0x3  }
0x1c1: {  	v13 =	vmov s15;
	v12 =	vshll.u32 v12, v1;
	v7 =	vadd.s32 $0x2, v7  }
0x1c2: {  	s0 =	simm.s32 $0x4100;
	v8 =	vld.idx.msk [tilespmem:v8+s2+$0x0], $0xffff;
	v6 =	vshll.u32 v6, v1;
	v12 =	vadd.s32 $0x5, v12;
	v7 =	vbroadcast v7, $0x0  }
0x1c3: {  	v14 =	vld [tilespmem:s0+$0xC0];
	v11 =	vshll.u32 v11, v1;
	v6 =	vadd.s32 $0x4, v6;
	v12 =	vbroadcast v12, $0x0  }
0x1c4: {  	v16 =	vld [tilespmem:s0+$0xFFFFFF00];
	v13 =	vshrl.u32 v13, $0x3;
	v11 =	vadd.s32 $0x6, v11;
	v6 =	vbroadcast v6, $0x0  }
0x1c5: {  	v17 =	vld [tilespmem:s0+$0xFFFFFF40];
	v13 =	vshll.u32 v13, v1;
	v11 =	vbroadcast v11, $0x0  }
0x1c6: {  	v18 =	vld [tilespmem:s0+$0xFFFFFF80];
	v13 =	vbroadcast v13, $0x0  }
0x1c7: {  	v10 =	vld.idx.msk [tilespmem:v10+s2+$0x0], $0xffff;
	v8 =	vshll.u32 v8, $0x6  }
0x1c8: {  	v15 =	vor.u32 v2, v8;
	v7 =	vld.idx.msk [tilespmem:v7+s2+$0x0], $0xffff  }
0x1c9: {  	v9 =	vshll.u32 v9, v1;
	v12 =	vld.idx.msk [tilespmem:v12+s2+$0x0], $0xffff  }
0x1ca: {  	v9 =	vadd.s32 $0x3, v9;
	v6 =	vld.idx.msk [tilespmem:v6+s2+$0x0], $0xffff  }
0x1cb: {  	v9 =	vbroadcast v9, $0x0;
	v11 =	vld.idx.msk [tilespmem:v11+s2+$0x0], $0xffff  }
0x1cc: {  	v13 =	vld.idx.msk [tilespmem:v13+s2+$0x0], $0xffff  }
0x1cd: {  	[tilespmem:v15+s23+$0x0] =	vst.idx.add.f32.msk $0xffff, v14  }
0x1ce: {  	v15 =	vor.u32 v3, v8;
	v14 =	vld [tilespmem:s0+$0xD0]  }
0x1cf: {  	v19 =	vld [tilespmem:s0+$0xFFFFFFC0];
	v10 =	vshll.u32 v10, $0x6  }
0x1d0: {  	v21 =	vld [tilespmem:s0+$0x0];
	v20 =	vor.u32 v2, v10;
	v7 =	vshll.u32 v7, $0x6  }
0x1d1: {  	v9 =	vld.idx.msk [tilespmem:v9+s2+$0x0], $0xffff;
	v22 =	vor.u32 v2, v7;
	v6 =	vshll.u32 v6, $0x6  }
0x1d2: {  	v25 =	vshll.u32 v12, $0x6;
	v12 =	vld [tilespmem:s0+$0x80];
	v11 =	vshll.u32 v11, $0x6;
	v24 =	vor.u32 v2, v6  }
0x1d3: {  	v27 =	vshll.u32 v13, $0x6;
	v13 =	vor.u32 v2, v11;
	[tilespmem:v15+s23+$0x0] =	vst.idx.add.f32.msk $0xffff, v14  }
0x1d4: {  	v15 =	vor.u32 v4, v8;
	v14 =	vld [tilespmem:s0+$0xE0]  }
0x1d5: {  	[tilespmem:v20+s23+$0x0] =	vst.idx.add.f32.msk $0xffff, v17  }
0x1d6: {  	v17 =	vor.u32 v2, v27;
	[tilespmem:v22+s23+$0x0] =	vst.idx.add.f32.msk $0xffff, v18  }
0x1d7: {  	[tilespmem:v24+s23+$0x0] =	vst.idx.add.f32.msk $0xffff, v21  }
0x1d8: {  	v23 =	vshll.u32 v9, $0x6;
	[tilespmem:v13+s23+$0x0] =	vst.idx.add.f32.msk $0xffff, v12  }
0x1d9: {  	[tilespmem:v15+s23+$0x0] =	vst.idx.add.f32.msk $0xffff, v14;
	v14 =	vor.u32 v2, v23  }
0x1da: {  	v26 =	vor.u32 v2, v25;
	v15 =	vld [tilespmem:s0+$0x40]  }
0x1db: {  	[tilespmem:v17+s23+$0x0] =	vst.idx.add.f32.msk $0xffff, v16  }
0x1dc: {  	v21 =	vld [tilespmem:s0+$0xFFFFFF10]  }
0x1dd: {  	v8 =	vor.u32 v5, v8;
	v9 =	vld [tilespmem:s0+$0xF0]  }
0x1de: {  	[tilespmem:v14+s23+$0x0] =	vst.idx.add.f32.msk $0xffff, v19  }
0x1df: {  	[tilespmem:v26+s23+$0x0] =	vst.idx.add.f32.msk $0xffff, v15  }
0x1e0: {  	v15 =	vld [tilespmem:s0+$0x10]  }
0x1e1: {  	v19 =	vld [tilespmem:s0+$0x90]  }
0x1e2: {  	v18 =	vor.u32 v3, v6;
	[tilespmem:v8+s23+$0x0] =	vst.idx.add.f32.msk $0xffff, v9  }
0x1e3: {  	v22 =	vor.u32 v3, v11;
	v8 =	vld [tilespmem:s0+$0xFFFFFF50]  }
0x1e4: {  	v12 =	vor.u32 v3, v10;
	v9 =	vld [tilespmem:s0+$0xFFFFFF90]  }
0x1e5: {  	v14 =	vor.u32 v3, v7;
	v13 =	vld [tilespmem:s0+$0xFFFFFFD0]  }
0x1e6: {  	v16 =	vor.u32 v3, v23;
	v17 =	vld [tilespmem:s0+$0x50]  }
0x1e7: {  	v20 =	vor.u32 v3, v25;
	[tilespmem:v18+s23+$0x0] =	vst.idx.add.f32.msk $0xffff, v15  }
0x1e8: {  	[tilespmem:v22+s23+$0x0] =	vst.idx.add.f32.msk $0xffff, v19  }
0x1e9: {  	[tilespmem:v12+s23+$0x0] =	vst.idx.add.f32.msk $0xffff, v8  }
0x1ea: {  	[tilespmem:v14+s23+$0x0] =	vst.idx.add.f32.msk $0xffff, v9  }
0x1eb: {  	v8 =	vor.u32 v3, v27;
	[tilespmem:v16+s23+$0x0] =	vst.idx.add.f32.msk $0xffff, v13  }
0x1ec: {  	[tilespmem:v20+s23+$0x0] =	vst.idx.add.f32.msk $0xffff, v17  }
0x1ed: {  	v20 =	vld [tilespmem:s0+$0x20]  }
0x1ee: {  	v18 =	vld [tilespmem:s0+$0xA0]  }
0x1ef: {  	v62 =	vld [tilespmem:s0+$0xFFFFFFE0]  }
0x1f0: {  	v28 =	vor.u32 v4, v23;
	[tilespmem:v8+s23+$0x0] =	vst.idx.add.f32.msk $0xffff, v21  }
0x1f1: {  	v22 =	vor.u32 v4, v10;
	v8 =	vld [tilespmem:s0+$0xFFFFFF60]  }
0x1f2: {  	v63 =	vor.u32 v4, v7;
	v21 =	vld [tilespmem:s0+$0xFFFFFFA0]  }
0x1f3: {  	v15 =	vor.u32 v4, v11;
	v14 =	vor.u32 v4, v6;
	v19 =	vld [tilespmem:s0+$0x60]  }
0x1f4: {  	v11 =	vor.u32 v5, v11;
	v16 =	vor.u32 v4, v25;
	v13 =	vor.u32 v4, v27;
	v17 =	vld [tilespmem:s0+$0xFFFFFF20]  }
0x1f5: {  	v12 =	vor.u32 v5, v10;
	v9 =	vor.u32 v5, v7;
	[tilespmem:v28+s23+$0x0] =	vst.idx.add.f32.msk $0xffff, v62  }
0x1f6: {  	v10 =	vor.u32 v5, v23;
	v7 =	vor.u32 v5, v25;
	[tilespmem:v22+s23+$0x0] =	vst.idx.add.f32.msk $0xffff, v8  }
0x1f7: {  	s7 =	simm.s32 $0x0;
	v8 =	vor.u32 v5, v6;
	[tilespmem:v63+s23+$0x0] =	vst.idx.add.f32.msk $0xffff, v21;
	v6 =	vor.u32 v5, v27  }
.LBB2_9:
0x1f8: {  	s6 =	sadd.s32 s7, s29;
	s7 =	sadd.s32 $0x8, s7;
	[tilespmem:v14+s23+$0x0] =	vst.idx.add.f32.msk $0xffff, v20  }
0x1f9: {  	s8 =	sadd.s32 $0x89, s6;
	s9 =	sadd.s32 $0x8F, s6;
	p1 =	slt.u32 s7, $0x38;
	[tilespmem:v16+s23+$0x0] =	vst.idx.add.f32.msk $0xffff, v19  }
0x1fa: {  	s13 =	sadd.s32 $0x8B, s6;
	s14 =	sadd.s32 $0x8C, s6;
	v14 =	vmov s8;
	s8 =	sadd.s32 $0x8A, s6;
	v16 =	vmov s9;
	[tilespmem:v15+s23+$0x0] =	vst.idx.add.f32.msk $0xffff, v18  }
0x1fb: {  	s9 =	sadd.s32 $0x88, s6;
	v18 =	vmov s13;
	v15 =	vmov s8;
	s8 =	sadd.s32 $0x8D, s6;
	s6 =	sadd.s32 $0x8E, s6;
	v16 =	vshrl.u32 v16, $0x3;
	[tilespmem:v13+s23+$0x0] =	vst.idx.add.f32.msk $0xffff, v17  }
0x1fc: {  	v13 =	vmov s14;
	v17 =	vmov s8;
	v16 =	vshll.u32 v16, v1;
	v19 =	vld [tilespmem:s0+$0xFFFFFF70]  }
0x1fd: {  	v14 =	vshrl.u32 v14, $0x3;
	v20 =	vmov s6;
	v16 =	vadd.s32 $0x7, v16;
	v21 =	vld [tilespmem:s0+$0xFFFFFFB0]  }
0x1fe: {  	v18 =	vshrl.u32 v18, $0x3;
	v15 =	vshrl.u32 v15, $0x3;
	v16 =	vbroadcast v16, $0x0;
	v22 =	vld [tilespmem:s0+$0xFFFFFFF0]  }
0x1ff: {  	v13 =	vshrl.u32 v13, $0x3;
	v17 =	vshrl.u32 v17, $0x3;
	v20 =	vshrl.u32 v20, $0x3;
	v23 =	vld [tilespmem:s0+$0x30]  }
0x200: {  	v24 =	vmov s9;
	v14 =	vshll.u32 v14, v1;
	v15 =	vshll.u32 v15, v1;
	v25 =	vld [tilespmem:s0+$0x70]  }
0x201: {  	v18 =	vshll.u32 v18, v1;
	v13 =	vshll.u32 v13, v1;
	v17 =	vshll.u32 v17, v1;
	v26 =	vld [tilespmem:s0+$0xB0]  }
0x202: {  	v24 =	vshrl.u32 v24, $0x3;
	v14 =	vadd.s32 $0x1, v14;
	v20 =	vshll.u32 v20, v1;
	v27 =	vld [tilespmem:s0+$0xFFFFFF30]  }
0x203: {  	v18 =	vadd.s32 $0x3, v18;
	v15 =	vadd.s32 $0x2, v15;
	v13 =	vadd.s32 $0x4, v13;
	[tilespmem:v12+s23+$0x0] =	vst.idx.add.f32.msk $0xffff, v19  }
0x204: {  	v17 =	vadd.s32 $0x5, v17;
	v12 =	vshll.u32 v24, v1;
	v19 =	vadd.s32 $0x6, v20;
	v16 =	vld.idx.msk [tilespmem:v16+s2+$0x0], $0xffff  }
0x205: {  	v14 =	vbroadcast v14, $0x0;
	v15 =	vbroadcast v15, $0x0;
	[tilespmem:v9+s23+$0x0] =	vst.idx.add.f32.msk $0xffff, v21  }
0x206: {  	v13 =	vbroadcast v13, $0x0;
	v9 =	vbroadcast v18, $0x0;
	[tilespmem:v10+s23+$0x0] =	vst.idx.add.f32.msk $0xffff, v22  }
0x207: {  	v10 =	vbroadcast v17, $0x0;
	v17 =	vbroadcast v19, $0x0;
	[tilespmem:v8+s23+$0x0] =	vst.idx.add.f32.msk $0xffff, v23  }
0x208: {  	v8 =	vbroadcast v12, $0x0;
	[tilespmem:v7+s23+$0x0] =	vst.idx.add.f32.msk $0xffff, v25  }
0x209: {  	[tilespmem:v11+s23+$0x0] =	vst.idx.add.f32.msk $0xffff, v26  }
0x20a: {  	s0 =	sadd.s32 $0x200, s0;
	v7 =	vshll.u32 v16, $0x6;
	[tilespmem:v6+s23+$0x0] =	vst.idx.add.f32.msk $0xffff, v27  }
0x20b: {  	v11 =	vor.u32 v2, v7;
	v6 =	vld [tilespmem:s0+$0xC0]  }
0x20c: {  	v12 =	vld.idx.msk [tilespmem:v14+s2+$0x0], $0xffff  }
0x20d: {  	v14 =	vld.idx.msk [tilespmem:v15+s2+$0x0], $0xffff  }
0x20e: {  	v9 =	vld.idx.msk [tilespmem:v9+s2+$0x0], $0xffff  }
0x20f: {  	v13 =	vld.idx.msk [tilespmem:v13+s2+$0x0], $0xffff  }
0x210: {  	[tilespmem:v11+s23+$0x0] =	vst.idx.add.f32.msk $0xffff, v6  }
0x211: {  	v11 =	vor.u32 v3, v7;
	v6 =	vld [tilespmem:s0+$0xD0]  }
0x212: {  	v12 =	vshll.u32 v12, $0x6;
	v10 =	vld.idx.msk [tilespmem:v10+s2+$0x0], $0xffff  }
0x213: {  	v18 =	vor.u32 v2, v12;
	v19 =	vor.u32 v3, v12;
	v20 =	vshll.u32 v14, $0x6;
	v15 =	vld.idx.msk [tilespmem:v17+s2+$0x0], $0xffff  }
0x214: {  	v17 =	vor.u32 v2, v20;
	v21 =	vor.u32 v3, v20;
	v22 =	vshll.u32 v9, $0x6;
	v8 =	vld.idx.msk [tilespmem:v8+s2+$0x0], $0xffff  }
0x215: {  	v24 =	vor.u32 v2, v22;
	v25 =	vor.u32 v3, v22;
	v26 =	vshll.u32 v13, $0x6;
	v23 =	vld [tilespmem:s0+$0xFFFFFF00]  }
0x216: {  	v27 =	vor.u32 v2, v26;
	v28 =	vor.u32 v3, v26;
	[tilespmem:v11+s23+$0x0] =	vst.idx.add.f32.msk $0xffff, v6  }
0x217: {  	v29 =	vor.u32 v4, v12;
	v30 =	vor.u32 v4, v20;
	v9 =	vor.u32 v4, v7;
	v6 =	vld [tilespmem:s0+$0xE0]  }
0x218: {  	v32 =	vor.u32 v4, v22;
	v14 =	vor.u32 v4, v26;
	v11 =	vshll.u32 v10, $0x6;
	v31 =	vld [tilespmem:s0+$0xFFFFFF40]  }
0x219: {  	v34 =	vor.u32 v2, v11;
	v35 =	vor.u32 v3, v11;
	v36 =	vshll.u32 v15, $0x6;
	v33 =	vld [tilespmem:s0+$0xFFFFFF80]  }
0x21a: {  	v37 =	vshll.u32 v8, $0x6;
	v39 =	vor.u32 v2, v36;
	v40 =	vor.u32 v3, v36;
	v38 =	vld [tilespmem:s0+$0xFFFFFFC0]  }
0x21b: {  	v16 =	vor.u32 v4, v11;
	v41 =	vor.u32 v2, v37;
	v42 =	vor.u32 v3, v37;
	v43 =	vld [tilespmem:s0+$0x0]  }
0x21c: {  	v15 =	vor.u32 v4, v36;
	v13 =	vor.u32 v4, v37;
	[tilespmem:v9+s23+$0x0] =	vst.idx.add.f32.msk $0xffff, v6  }
0x21d: {  	v44 =	vor.u32 v5, v7;
	v12 =	vor.u32 v5, v12;
	v9 =	vor.u32 v5, v20;
	v20 =	vld [tilespmem:s0+$0xF0]  }
0x21e: {  	v10 =	vor.u32 v5, v22;
	v7 =	vor.u32 v5, v11;
	v8 =	vor.u32 v5, v26;
	v22 =	vld [tilespmem:s0+$0x40]  }
0x21f: {  	v11 =	vor.u32 v5, v36;
	v6 =	vor.u32 v5, v37;
	v26 =	vld [tilespmem:s0+$0x80]  }
0x220: {  	[tilespmem:v18+s23+$0x0] =	vst.idx.add.f32.msk $0xffff, v31  }
0x221: {  	[tilespmem:v17+s23+$0x0] =	vst.idx.add.f32.msk $0xffff, v33  }
0x222: {  	[tilespmem:v44+s23+$0x0] =	vst.idx.add.f32.msk $0xffff, v20  }
0x223: {  	[tilespmem:v24+s23+$0x0] =	vst.idx.add.f32.msk $0xffff, v38  }
0x224: {  	[tilespmem:v27+s23+$0x0] =	vst.idx.add.f32.msk $0xffff, v43  }
0x225: {  	[tilespmem:v34+s23+$0x0] =	vst.idx.add.f32.msk $0xffff, v22  }
0x226: {  	[tilespmem:v39+s23+$0x0] =	vst.idx.add.f32.msk $0xffff, v26  }
0x227: {  	[tilespmem:v41+s23+$0x0] =	vst.idx.add.f32.msk $0xffff, v23  }
0x228: {  	v17 =	vld [tilespmem:s0+$0xFFFFFF50]  }
0x229: {  	v18 =	vld [tilespmem:s0+$0xFFFFFF90]  }
0x22a: {  	v20 =	vld [tilespmem:s0+$0xFFFFFFD0]  }
0x22b: {  	v22 =	vld [tilespmem:s0+$0x10]  }
0x22c: {  	v23 =	vld [tilespmem:s0+$0x50]  }
0x22d: {  	v24 =	vld [tilespmem:s0+$0x90]  }
0x22e: {  	v26 =	vld [tilespmem:s0+$0xFFFFFF10]  }
0x22f: {  	[tilespmem:v19+s23+$0x0] =	vst.idx.add.f32.msk $0xffff, v17  }
0x230: {  	[tilespmem:v21+s23+$0x0] =	vst.idx.add.f32.msk $0xffff, v18  }
0x231: {  	[tilespmem:v25+s23+$0x0] =	vst.idx.add.f32.msk $0xffff, v20  }
0x232: {  	[tilespmem:v28+s23+$0x0] =	vst.idx.add.f32.msk $0xffff, v22  }
0x233: {  	[tilespmem:v35+s23+$0x0] =	vst.idx.add.f32.msk $0xffff, v23  }
0x234: {  	[tilespmem:v40+s23+$0x0] =	vst.idx.add.f32.msk $0xffff, v24  }
0x235: {  	[tilespmem:v42+s23+$0x0] =	vst.idx.add.f32.msk $0xffff, v26  }
0x236: {  	v21 =	vld [tilespmem:s0+$0xFFFFFF60]  }
0x237: {  	v22 =	vld [tilespmem:s0+$0xFFFFFFA0]  }
0x238: {  	v23 =	vld [tilespmem:s0+$0xFFFFFFE0]  }
0x239: {  	v20 =	vld [tilespmem:s0+$0x20]  }
0x23a: {  	v19 =	vld [tilespmem:s0+$0x60]  }
.Ltmp3:
0x23b: {  	v18 =	vld [tilespmem:s0+$0xA0];
	(pc) =	sbr.rel @p1 .LBB2_9-.Ltmp3, $4  }
0x23c: {  	v17 =	vld [tilespmem:s0+$0xFFFFFF20]  }
0x23d: {  	[tilespmem:v29+s23+$0x0] =	vst.idx.add.f32.msk $0xffff, v21  }
0x23e: {  	[tilespmem:v30+s23+$0x0] =	vst.idx.add.f32.msk $0xffff, v22  }
0x23f: {  	[tilespmem:v32+s23+$0x0] =	vst.idx.add.f32.msk $0xffff, v23  }
0x240: {  	_ =	sdelay $0x3  }
0x241: {  	[tilespmem:v14+s23+$0x0] =	vst.idx.add.f32.msk $0xffff, v20  }
0x242: {  	[tilespmem:v16+s23+$0x0] =	vst.idx.add.f32.msk $0xffff, v19  }
0x243: {  	[tilespmem:v15+s23+$0x0] =	vst.idx.add.f32.msk $0xffff, v18  }
0x244: {  	v14 =	vld [tilespmem:s0+$0xFFFFFFB0]  }
0x245: {  	v15 =	vld [tilespmem:s0+$0xFFFFFFF0]  }
0x246: {  	[tilespmem:v13+s23+$0x0] =	vst.idx.add.f32.msk $0xffff, v17  }
0x247: {  	v13 =	vld [tilespmem:s0+$0xFFFFFF70]  }
0x248: {  	v16 =	vld [tilespmem:s0+$0x30]  }
0x249: {  	v17 =	vld [tilespmem:s0+$0x70]  }
0x24a: {  	v18 =	vld [tilespmem:s0+$0xB0]  }
0x24b: {  	v19 =	vld [tilespmem:s0+$0xFFFFFF30]  }
0x24c: {  	[tilespmem:v9+s23+$0x0] =	vst.idx.add.f32.msk $0xffff, v14  }
0x24d: {  	[tilespmem:v10+s23+$0x0] =	vst.idx.add.f32.msk $0xffff, v15  }
0x24e: {  	[tilespmem:v12+s23+$0x0] =	vst.idx.add.f32.msk $0xffff, v13  }
0x24f: {  	[tilespmem:v8+s23+$0x0] =	vst.idx.add.f32.msk $0xffff, v16  }
0x250: {  	[tilespmem:v7+s23+$0x0] =	vst.idx.add.f32.msk $0xffff, v17  }
0x251: {  	s15 =	smin.u32 s1, $0x79;
	[tilespmem:v11+s23+$0x0] =	vst.idx.add.f32.msk $0xffff, v18  }
0x252: {  	s0 =	sshll.u32 s15, $0xE;
	[tilespmem:v6+s23+$0x0] =	vst.idx.add.f32.msk $0xffff, v19  }
0x253: {  	s0 =	sadd.s32 s0, s12;
	_ =	swait.ge [sflag:s26], $0x1000  }
0x254: {  	s0 =	sshrl.u32 s0, $0x3;
	[sflag:s26] =	ssyncset.done $0x0  }
0x255: {  	s0 =	sadd.s32 s3, s0;
	[sflag:s26] =	ssyncadd.s32 $0xFFFFF000  }
0x256: {  	[tilespmem:s20], [sflag:$0x3] =	stream.strided.gather [hbm4b:s0+s16], $0x1000, s17, s16, $0x38;
	[tilespmem:$0x1F000] =	vst v63  }
0x257: {  	s0 =	sshll.u32 s31, $0x6  }
0x258: {  	v6 =	vld @!p0 [tilespmem:s0+$0x0]  }
0x259: {  	v7 =	vld @!p0 [tilespmem:s0+$0x10];
	_ =	sdelay $0x3  }
0x25a: {  	v8 =	vlaneseq.u32 @!p0;
	v6 =	vshll.u32 @!p0 v6, $0x4  }
0x25b: {  	v7 =	vshll.u32 @!p0 v7, $0x4;
	v6 =	vor.u32 @!p0 v8, v6  }
0x25c: {  	v7 =	vor.u32 @!p0 v8, v7;
	_ =	sdelay $0x2  }
0x25d: {  	s1 =	simm.s32 @!p0 $0x1A000;
	v9 =	vimm.f32 @!p0 $1.000000000e+00  }
0x25e: {  	[tilespmem:v6+s1+$0x0] =	vst.idx.add.f32.msk @!p0 $0xffff, v9  }
0x25f: {  	[tilespmem:v7+s1+$0x0] =	vst.idx.add.f32.msk @!p0 $0xffff, v9  }
0x260: {  	v6 =	vld @!p0 [tilespmem:s0+$0x20]  }
0x261: {  	v7 =	vld @!p0 [tilespmem:s0+$0x30]  }
0x262: {  	s31 =	sadd.s32 $0xFFFFFFF8, s29  }
0x263: {  	s6 =	sadd.s32 $0xCF, s31  }
0x264: {  	v10 =	vmov s6  }
0x265: {  	v10 =	vshrl.u32 v10, $0x3;
	v6 =	vshll.u32 @!p0 v6, $0x4  }
0x266: {  	v10 =	vshll.u32 v10, v1;
	v7 =	vshll.u32 @!p0 v7, $0x4;
	v6 =	vor.u32 @!p0 v8, v6  }
0x267: {  	s9 =	sadd.s32 $0xC9, s31;
	v10 =	vadd.s32 $0x7, v10;
	v7 =	vor.u32 @!p0 v8, v7  }
0x268: {  	v8 =	vbroadcast v10, $0x0;
	v10 =	vmov s9  }
0x269: {  	s7 =	sadd.s32 $0xCA, s31;
	v10 =	vshrl.u32 v10, $0x3  }
0x26a: {  	s8 =	sadd.s32 $0xCB, s31;
	s14 =	sadd.s32 $0xCD, s31;
	v11 =	vmov s7;
	v10 =	vshll.u32 v10, v1  }
0x26b: {  	s13 =	sadd.s32 $0xCC, s31;
	v12 =	vmov s8;
	v13 =	vmov s14;
	v10 =	vadd.s32 $0x1, v10;
	[tilespmem:v6+s1+$0x0] =	vst.idx.add.f32.msk @!p0 $0xffff, v9  }
0x26c: {  	s15 =	sadd.s32 $0xCE, s31;
	v10 =	vbroadcast v10, $0x0;
	v6 =	vmov s13;
	[tilespmem:v7+s1+$0x0] =	vst.idx.add.f32.msk @!p0 $0xffff, v9;
	v7 =	vshrl.u32 v11, $0x3  }
0x26d: {  	s31 =	sadd.s32 $0xC8, s31;
	v9 =	vshrl.u32 v12, $0x3;
	v11 =	vmov s15;
	v12 =	vshrl.u32 v13, $0x3  }
0x26e: {  	v13 =	vmov s31;
	v6 =	vshrl.u32 v6, $0x3;
	v7 =	vshll.u32 v7, v1  }
0x26f: {  	v11 =	vshrl.u32 v11, $0x3;
	v12 =	vshll.u32 v12, v1;
	v7 =	vadd.s32 $0x2, v7  }
0x270: {  	s0 =	simm.s32 $0x5100;
	v8 =	vld.idx.msk [tilespmem:v8+s2+$0x0], $0xffff;
	v13 =	vshrl.u32 v13, $0x3;
	v12 =	vadd.s32 $0x5, v12;
	v7 =	vbroadcast v7, $0x0  }
0x271: {  	v14 =	vld [tilespmem:s0+$0xC0];
	v6 =	vshll.u32 v6, v1;
	v13 =	vshll.u32 v13, v1;
	v12 =	vbroadcast v12, $0x0  }
0x272: {  	v16 =	vld [tilespmem:s0+$0xFFFFFF00];
	v11 =	vshll.u32 v11, v1;
	v6 =	vadd.s32 $0x4, v6;
	v13 =	vbroadcast v13, $0x0  }
0x273: {  	v17 =	vld [tilespmem:s0+$0xFFFFFF40];
	v11 =	vadd.s32 $0x6, v11;
	v6 =	vbroadcast v6, $0x0  }
0x274: {  	v18 =	vld [tilespmem:s0+$0xFFFFFF80];
	v11 =	vbroadcast v11, $0x0  }
0x275: {  	v10 =	vld.idx.msk [tilespmem:v10+s2+$0x0], $0xffff;
	v8 =	vshll.u32 v8, $0x6  }
0x276: {  	v15 =	vor.u32 v2, v8;
	v7 =	vld.idx.msk [tilespmem:v7+s2+$0x0], $0xffff  }
0x277: {  	v9 =	vshll.u32 v9, v1;
	v12 =	vld.idx.msk [tilespmem:v12+s2+$0x0], $0xffff  }
0x278: {  	v9 =	vadd.s32 $0x3, v9;
	v13 =	vld.idx.msk [tilespmem:v13+s2+$0x0], $0xffff  }
0x279: {  	v9 =	vbroadcast v9, $0x0;
	v6 =	vld.idx.msk [tilespmem:v6+s2+$0x0], $0xffff  }
0x27a: {  	v11 =	vld.idx.msk [tilespmem:v11+s2+$0x0], $0xffff  }
0x27b: {  	[tilespmem:v15+s23+$0x0] =	vst.idx.add.f32.msk $0xffff, v14  }
0x27c: {  	v15 =	vor.u32 v3, v8;
	v14 =	vld [tilespmem:s0+$0xD0]  }
0x27d: {  	v19 =	vld [tilespmem:s0+$0xFFFFFFC0];
	v10 =	vshll.u32 v10, $0x6  }
0x27e: {  	v21 =	vld [tilespmem:s0+$0x0];
	v20 =	vor.u32 v2, v10;
	v7 =	vshll.u32 v7, $0x6  }
0x27f: {  	v9 =	vld.idx.msk [tilespmem:v9+s2+$0x0], $0xffff;
	v22 =	vor.u32 v2, v7;
	v6 =	vshll.u32 v6, $0x6  }
0x280: {  	v25 =	vshll.u32 v12, $0x6;
	v12 =	vld [tilespmem:s0+$0x80];
	v11 =	vshll.u32 v11, $0x6;
	v24 =	vor.u32 v2, v6  }
0x281: {  	v27 =	vshll.u32 v13, $0x6;
	v13 =	vor.u32 v2, v11;
	[tilespmem:v15+s23+$0x0] =	vst.idx.add.f32.msk $0xffff, v14  }
0x282: {  	v15 =	vor.u32 v4, v8;
	v14 =	vld [tilespmem:s0+$0xE0]  }
0x283: {  	[tilespmem:v20+s23+$0x0] =	vst.idx.add.f32.msk $0xffff, v17  }
0x284: {  	v17 =	vor.u32 v2, v27;
	[tilespmem:v22+s23+$0x0] =	vst.idx.add.f32.msk $0xffff, v18  }
0x285: {  	[tilespmem:v24+s23+$0x0] =	vst.idx.add.f32.msk $0xffff, v21  }
0x286: {  	v23 =	vshll.u32 v9, $0x6;
	[tilespmem:v13+s23+$0x0] =	vst.idx.add.f32.msk $0xffff, v12  }
0x287: {  	[tilespmem:v15+s23+$0x0] =	vst.idx.add.f32.msk $0xffff, v14;
	v14 =	vor.u32 v2, v23  }
0x288: {  	v26 =	vor.u32 v2, v25;
	v15 =	vld [tilespmem:s0+$0x40]  }
0x289: {  	[tilespmem:v17+s23+$0x0] =	vst.idx.add.f32.msk $0xffff, v16  }
0x28a: {  	v21 =	vld [tilespmem:s0+$0xFFFFFF10]  }
0x28b: {  	v8 =	vor.u32 v5, v8;
	v9 =	vld [tilespmem:s0+$0xF0]  }
0x28c: {  	[tilespmem:v14+s23+$0x0] =	vst.idx.add.f32.msk $0xffff, v19  }
0x28d: {  	[tilespmem:v26+s23+$0x0] =	vst.idx.add.f32.msk $0xffff, v15  }
0x28e: {  	v15 =	vld [tilespmem:s0+$0x10]  }
0x28f: {  	v19 =	vld [tilespmem:s0+$0x90]  }
0x290: {  	v18 =	vor.u32 v3, v6;
	[tilespmem:v8+s23+$0x0] =	vst.idx.add.f32.msk $0xffff, v9  }
0x291: {  	v22 =	vor.u32 v3, v11;
	v8 =	vld [tilespmem:s0+$0xFFFFFF50]  }
0x292: {  	v12 =	vor.u32 v3, v10;
	v9 =	vld [tilespmem:s0+$0xFFFFFF90]  }
0x293: {  	v14 =	vor.u32 v3, v7;
	v13 =	vld [tilespmem:s0+$0xFFFFFFD0]  }
0x294: {  	v16 =	vor.u32 v3, v23;
	v17 =	vld [tilespmem:s0+$0x50]  }
0x295: {  	v20 =	vor.u32 v3, v25;
	[tilespmem:v18+s23+$0x0] =	vst.idx.add.f32.msk $0xffff, v15  }
0x296: {  	[tilespmem:v22+s23+$0x0] =	vst.idx.add.f32.msk $0xffff, v19  }
0x297: {  	[tilespmem:v12+s23+$0x0] =	vst.idx.add.f32.msk $0xffff, v8  }
0x298: {  	[tilespmem:v14+s23+$0x0] =	vst.idx.add.f32.msk $0xffff, v9  }
0x299: {  	v8 =	vor.u32 v3, v27;
	[tilespmem:v16+s23+$0x0] =	vst.idx.add.f32.msk $0xffff, v13  }
0x29a: {  	[tilespmem:v20+s23+$0x0] =	vst.idx.add.f32.msk $0xffff, v17  }
0x29b: {  	v20 =	vld [tilespmem:s0+$0x20]  }
0x29c: {  	v18 =	vld [tilespmem:s0+$0xA0]  }
0x29d: {  	v62 =	vld [tilespmem:s0+$0xFFFFFFE0]  }
0x29e: {  	v28 =	vor.u32 v4, v23;
	[tilespmem:v8+s23+$0x0] =	vst.idx.add.f32.msk $0xffff, v21  }
0x29f: {  	v22 =	vor.u32 v4, v10;
	v8 =	vld [tilespmem:s0+$0xFFFFFF60]  }
0x2a0: {  	v63 =	vor.u32 v4, v7;
	v21 =	vld [tilespmem:s0+$0xFFFFFFA0]  }
0x2a1: {  	v15 =	vor.u32 v4, v11;
	v14 =	vor.u32 v4, v6;
	v19 =	vld [tilespmem:s0+$0x60]  }
0x2a2: {  	v11 =	vor.u32 v5, v11;
	v16 =	vor.u32 v4, v25;
	v13 =	vor.u32 v4, v27;
	v17 =	vld [tilespmem:s0+$0xFFFFFF20]  }
0x2a3: {  	v12 =	vor.u32 v5, v10;
	v9 =	vor.u32 v5, v7;
	[tilespmem:v28+s23+$0x0] =	vst.idx.add.f32.msk $0xffff, v62  }
0x2a4: {  	v10 =	vor.u32 v5, v23;
	v7 =	vor.u32 v5, v25;
	[tilespmem:v22+s23+$0x0] =	vst.idx.add.f32.msk $0xffff, v8  }
0x2a5: {  	s1 =	simm.s32 $0x0;
	v8 =	vor.u32 v5, v6;
	[tilespmem:v63+s23+$0x0] =	vst.idx.add.f32.msk $0xffff, v21;
	v6 =	vor.u32 v5, v27  }
.LBB2_11:
0x2a6: {  	s6 =	sadd.s32 s1, s29;
	s1 =	sadd.s32 $0x8, s1;
	[tilespmem:v14+s23+$0x0] =	vst.idx.add.f32.msk $0xffff, v20  }
0x2a7: {  	s7 =	sadd.s32 $0xC9, s6;
	s8 =	sadd.s32 $0xCF, s6;
	p1 =	slt.u32 s1, $0x38;
	[tilespmem:v16+s23+$0x0] =	vst.idx.add.f32.msk $0xffff, v19  }
0x2a8: {  	s9 =	sadd.s32 $0xCB, s6;
	s13 =	sadd.s32 $0xCC, s6;
	v14 =	vmov s7;
	s7 =	sadd.s32 $0xCA, s6;
	v16 =	vmov s8;
	[tilespmem:v15+s23+$0x0] =	vst.idx.add.f32.msk $0xffff, v18  }
0x2a9: {  	s8 =	sadd.s32 $0xC8, s6;
	v18 =	vmov s9;
	v15 =	vmov s7;
	s7 =	sadd.s32 $0xCD, s6;
	s6 =	sadd.s32 $0xCE, s6;
	v16 =	vshrl.u32 v16, $0x3;
	[tilespmem:v13+s23+$0x0] =	vst.idx.add.f32.msk $0xffff, v17  }
0x2aa: {  	v13 =	vmov s13;
	v17 =	vmov s7;
	v16 =	vshll.u32 v16, v1;
	v19 =	vld [tilespmem:s0+$0xFFFFFF70]  }
0x2ab: {  	v14 =	vshrl.u32 v14, $0x3;
	v20 =	vmov s6;
	v16 =	vadd.s32 $0x7, v16;
	v21 =	vld [tilespmem:s0+$0xFFFFFFB0]  }
0x2ac: {  	v18 =	vshrl.u32 v18, $0x3;
	v15 =	vshrl.u32 v15, $0x3;
	v16 =	vbroadcast v16, $0x0;
	v22 =	vld [tilespmem:s0+$0xFFFFFFF0]  }
0x2ad: {  	v13 =	vshrl.u32 v13, $0x3;
	v17 =	vshrl.u32 v17, $0x3;
	v20 =	vshrl.u32 v20, $0x3;
	v23 =	vld [tilespmem:s0+$0x30]  }
0x2ae: {  	v24 =	vmov s8;
	v14 =	vshll.u32 v14, v1;
	v15 =	vshll.u32 v15, v1;
	v25 =	vld [tilespmem:s0+$0x70]  }
0x2af: {  	v18 =	vshll.u32 v18, v1;
	v13 =	vshll.u32 v13, v1;
	v17 =	vshll.u32 v17, v1;
	v26 =	vld [tilespmem:s0+$0xB0]  }
0x2b0: {  	v24 =	vshrl.u32 v24, $0x3;
	v14 =	vadd.s32 $0x1, v14;
	v20 =	vshll.u32 v20, v1;
	v27 =	vld [tilespmem:s0+$0xFFFFFF30]  }
0x2b1: {  	v18 =	vadd.s32 $0x3, v18;
	v15 =	vadd.s32 $0x2, v15;
	v13 =	vadd.s32 $0x4, v13;
	[tilespmem:v12+s23+$0x0] =	vst.idx.add.f32.msk $0xffff, v19  }
0x2b2: {  	v17 =	vadd.s32 $0x5, v17;
	v12 =	vshll.u32 v24, v1;
	v19 =	vadd.s32 $0x6, v20;
	v16 =	vld.idx.msk [tilespmem:v16+s2+$0x0], $0xffff  }
0x2b3: {  	v14 =	vbroadcast v14, $0x0;
	v15 =	vbroadcast v15, $0x0;
	[tilespmem:v9+s23+$0x0] =	vst.idx.add.f32.msk $0xffff, v21  }
0x2b4: {  	v13 =	vbroadcast v13, $0x0;
	v9 =	vbroadcast v18, $0x0;
	[tilespmem:v10+s23+$0x0] =	vst.idx.add.f32.msk $0xffff, v22  }
0x2b5: {  	v10 =	vbroadcast v17, $0x0;
	v17 =	vbroadcast v19, $0x0;
	[tilespmem:v8+s23+$0x0] =	vst.idx.add.f32.msk $0xffff, v23  }
0x2b6: {  	v8 =	vbroadcast v12, $0x0;
	[tilespmem:v7+s23+$0x0] =	vst.idx.add.f32.msk $0xffff, v25  }
0x2b7: {  	[tilespmem:v11+s23+$0x0] =	vst.idx.add.f32.msk $0xffff, v26  }
0x2b8: {  	s0 =	sadd.s32 $0x200, s0;
	v7 =	vshll.u32 v16, $0x6;
	[tilespmem:v6+s23+$0x0] =	vst.idx.add.f32.msk $0xffff, v27  }
0x2b9: {  	v11 =	vor.u32 v2, v7;
	v6 =	vld [tilespmem:s0+$0xC0]  }
0x2ba: {  	v12 =	vld.idx.msk [tilespmem:v14+s2+$0x0], $0xffff  }
0x2bb: {  	v14 =	vld.idx.msk [tilespmem:v15+s2+$0x0], $0xffff  }
0x2bc: {  	v9 =	vld.idx.msk [tilespmem:v9+s2+$0x0], $0xffff  }
0x2bd: {  	v13 =	vld.idx.msk [tilespmem:v13+s2+$0x0], $0xffff  }
0x2be: {  	[tilespmem:v11+s23+$0x0] =	vst.idx.add.f32.msk $0xffff, v6  }
0x2bf: {  	v11 =	vor.u32 v3, v7;
	v6 =	vld [tilespmem:s0+$0xD0]  }
0x2c0: {  	v12 =	vshll.u32 v12, $0x6;
	v10 =	vld.idx.msk [tilespmem:v10+s2+$0x0], $0xffff  }
0x2c1: {  	v18 =	vor.u32 v2, v12;
	v19 =	vor.u32 v3, v12;
	v20 =	vshll.u32 v14, $0x6;
	v15 =	vld.idx.msk [tilespmem:v17+s2+$0x0], $0xffff  }
0x2c2: {  	v17 =	vor.u32 v2, v20;
	v21 =	vor.u32 v3, v20;
	v22 =	vshll.u32 v9, $0x6;
	v8 =	vld.idx.msk [tilespmem:v8+s2+$0x0], $0xffff  }
0x2c3: {  	v24 =	vor.u32 v2, v22;
	v25 =	vor.u32 v3, v22;
	v26 =	vshll.u32 v13, $0x6;
	v23 =	vld [tilespmem:s0+$0xFFFFFF00]  }
0x2c4: {  	v27 =	vor.u32 v2, v26;
	v28 =	vor.u32 v3, v26;
	[tilespmem:v11+s23+$0x0] =	vst.idx.add.f32.msk $0xffff, v6  }
0x2c5: {  	v29 =	vor.u32 v4, v12;
	v30 =	vor.u32 v4, v20;
	v9 =	vor.u32 v4, v7;
	v6 =	vld [tilespmem:s0+$0xE0]  }
0x2c6: {  	v32 =	vor.u32 v4, v22;
	v14 =	vor.u32 v4, v26;
	v11 =	vshll.u32 v10, $0x6;
	v31 =	vld [tilespmem:s0+$0xFFFFFF40]  }
0x2c7: {  	v34 =	vor.u32 v2, v11;
	v35 =	vor.u32 v3, v11;
	v36 =	vshll.u32 v15, $0x6;
	v33 =	vld [tilespmem:s0+$0xFFFFFF80]  }
0x2c8: {  	v37 =	vshll.u32 v8, $0x6;
	v39 =	vor.u32 v2, v36;
	v40 =	vor.u32 v3, v36;
	v38 =	vld [tilespmem:s0+$0xFFFFFFC0]  }
0x2c9: {  	v16 =	vor.u32 v4, v11;
	v41 =	vor.u32 v2, v37;
	v42 =	vor.u32 v3, v37;
	v43 =	vld [tilespmem:s0+$0x0]  }
0x2ca: {  	v15 =	vor.u32 v4, v36;
	v13 =	vor.u32 v4, v37;
	[tilespmem:v9+s23+$0x0] =	vst.idx.add.f32.msk $0xffff, v6  }
0x2cb: {  	v44 =	vor.u32 v5, v7;
	v12 =	vor.u32 v5, v12;
	v9 =	vor.u32 v5, v20;
	v20 =	vld [tilespmem:s0+$0xF0]  }
0x2cc: {  	v10 =	vor.u32 v5, v22;
	v7 =	vor.u32 v5, v11;
	v8 =	vor.u32 v5, v26;
	v22 =	vld [tilespmem:s0+$0x40]  }
0x2cd: {  	v11 =	vor.u32 v5, v36;
	v6 =	vor.u32 v5, v37;
	v26 =	vld [tilespmem:s0+$0x80]  }
0x2ce: {  	[tilespmem:v18+s23+$0x0] =	vst.idx.add.f32.msk $0xffff, v31  }
0x2cf: {  	[tilespmem:v17+s23+$0x0] =	vst.idx.add.f32.msk $0xffff, v33  }
0x2d0: {  	[tilespmem:v44+s23+$0x0] =	vst.idx.add.f32.msk $0xffff, v20  }
0x2d1: {  	[tilespmem:v24+s23+$0x0] =	vst.idx.add.f32.msk $0xffff, v38  }
0x2d2: {  	[tilespmem:v27+s23+$0x0] =	vst.idx.add.f32.msk $0xffff, v43  }
0x2d3: {  	[tilespmem:v34+s23+$0x0] =	vst.idx.add.f32.msk $0xffff, v22  }
0x2d4: {  	[tilespmem:v39+s23+$0x0] =	vst.idx.add.f32.msk $0xffff, v26  }
0x2d5: {  	[tilespmem:v41+s23+$0x0] =	vst.idx.add.f32.msk $0xffff, v23  }
0x2d6: {  	v17 =	vld [tilespmem:s0+$0xFFFFFF50]  }
0x2d7: {  	v18 =	vld [tilespmem:s0+$0xFFFFFF90]  }
0x2d8: {  	v20 =	vld [tilespmem:s0+$0xFFFFFFD0]  }
0x2d9: {  	v22 =	vld [tilespmem:s0+$0x10]  }
0x2da: {  	v23 =	vld [tilespmem:s0+$0x50]  }
0x2db: {  	v24 =	vld [tilespmem:s0+$0x90]  }
0x2dc: {  	v26 =	vld [tilespmem:s0+$0xFFFFFF10]  }
0x2dd: {  	[tilespmem:v19+s23+$0x0] =	vst.idx.add.f32.msk $0xffff, v17  }
0x2de: {  	[tilespmem:v21+s23+$0x0] =	vst.idx.add.f32.msk $0xffff, v18  }
0x2df: {  	[tilespmem:v25+s23+$0x0] =	vst.idx.add.f32.msk $0xffff, v20  }
0x2e0: {  	[tilespmem:v28+s23+$0x0] =	vst.idx.add.f32.msk $0xffff, v22  }
0x2e1: {  	[tilespmem:v35+s23+$0x0] =	vst.idx.add.f32.msk $0xffff, v23  }
0x2e2: {  	[tilespmem:v40+s23+$0x0] =	vst.idx.add.f32.msk $0xffff, v24  }
0x2e3: {  	[tilespmem:v42+s23+$0x0] =	vst.idx.add.f32.msk $0xffff, v26  }
0x2e4: {  	v21 =	vld [tilespmem:s0+$0xFFFFFF60]  }
0x2e5: {  	v22 =	vld [tilespmem:s0+$0xFFFFFFA0]  }
0x2e6: {  	v23 =	vld [tilespmem:s0+$0xFFFFFFE0]  }
0x2e7: {  	v20 =	vld [tilespmem:s0+$0x20]  }
0x2e8: {  	v19 =	vld [tilespmem:s0+$0x60]  }
.Ltmp4:
0x2e9: {  	v18 =	vld [tilespmem:s0+$0xA0];
	(pc) =	sbr.rel @p1 .LBB2_11-.Ltmp4, $4  }
0x2ea: {  	v17 =	vld [tilespmem:s0+$0xFFFFFF20]  }
0x2eb: {  	[tilespmem:v29+s23+$0x0] =	vst.idx.add.f32.msk $0xffff, v21  }
0x2ec: {  	[tilespmem:v30+s23+$0x0] =	vst.idx.add.f32.msk $0xffff, v22  }
0x2ed: {  	[tilespmem:v32+s23+$0x0] =	vst.idx.add.f32.msk $0xffff, v23  }
0x2ee: {  	_ =	sdelay $0x3  }
0x2ef: {  	[tilespmem:v14+s23+$0x0] =	vst.idx.add.f32.msk $0xffff, v20  }
0x2f0: {  	[tilespmem:v16+s23+$0x0] =	vst.idx.add.f32.msk $0xffff, v19  }
0x2f1: {  	[tilespmem:v15+s23+$0x0] =	vst.idx.add.f32.msk $0xffff, v18  }
0x2f2: {  	v58 =	vld [tilespmem:s0+$0xFFFFFF70]  }
0x2f3: {  	v59 =	vld [tilespmem:s0+$0xFFFFFFB0]  }
0x2f4: {  	v60 =	vld [tilespmem:s0+$0xFFFFFFF0]  }
0x2f5: {  	[tilespmem:v13+s23+$0x0] =	vst.idx.add.f32.msk $0xffff, v17  }
0x2f6: {  	v61 =	vld [tilespmem:s0+$0x30]  }
0x2f7: {  	v62 =	vld [tilespmem:s0+$0x70]  }
0x2f8: {  	v18 =	vld [tilespmem:s0+$0xB0]  }
0x2f9: {  	v63 =	vld [tilespmem:s0+$0xFFFFFF30]  }
0x2fa: {  	s30 =	sadd.s32 $0x1, s30;
	[tilespmem:v12+s23+$0x0] =	vst.idx.add.f32.msk $0xffff, v58  }
0x2fb: {  	p1 =	sne.s32 s30, $0x20;
	[tilespmem:v9+s23+$0x0] =	vst.idx.add.f32.msk $0xffff, v59  }
.Ltmp5:
0x2fc: {  	[tilespmem:v10+s23+$0x0] =	vst.idx.add.f32.msk $0xffff, v60;
	(pc) =	sbr.rel @p1 .LBB2_4-.Ltmp5, $4  }
0x2fd: {  	[tilespmem:v8+s23+$0x0] =	vst.idx.add.f32.msk $0xffff, v61  }
0x2fe: {  	[tilespmem:v7+s23+$0x0] =	vst.idx.add.f32.msk $0xffff, v62  }
0x2ff: {  	[tilespmem:v11+s23+$0x0] =	vst.idx.add.f32.msk $0xffff, v18  }
0x300: {  	s29 =	sadd.s32 $0x100, s29;
	[tilespmem:v6+s23+$0x0] =	vst.idx.add.f32.msk $0xffff, v63  }
0x301: {  	_ =	swait.ge [sflag:s4], $0x1000  }
0x302: {  	[sflag:s4] =	ssyncset.done $0x0  }
0x303: {  	[sflag:s4] =	ssyncadd.s32 $0xFFFFF000  }
0x304: {  	_ =	swait.ge [sflag:s24], $0x1000  }
0x305: {  	[sflag:s24] =	ssyncset.done $0x0  }
0x306: {  	[sflag:s24] =	ssyncadd.s32 $0xFFFFF000  }
0x307: {  	_ =	swait.ge [sflag:s25], $0x1000  }
0x308: {  	[sflag:s25] =	ssyncset.done $0x0  }
0x309: {  	s0 =	rddreg [dreg:$0x7];
	[sflag:s25] =	ssyncadd.s32 $0xFFFFF000  }
0x30a: {  	[hbm4b:s0+s16] =	stream.strided.scatter [tilespmem:s23], [sflag:$0x5], $0x14000, s17, s16, $0x38;
	[tilespmem:$0x1F000] =	vst v63  }
0x30b: {  	_ =	swait.ge [sflag:s21], $0x14000  }
0x30c: {  	s1 =	simm.s32 @!p0 $0x1A000;
	[sflag:s21] =	ssyncset.done $0x0  }
0x30d: {  	s0 =	simm.s32 @!p0 $0x0;
	s6 =	rddreg [dreg:$0x8];
	[sflag:s21] =	ssyncadd.s32 $0xFFFEC000  }
0x30e: {  	[hbm4b:s6+s0] =	stream.linear.scatter @!p0 [tilespmem:s1], [sflag:$0x5], $0x5000, $0x38;
	[tilespmem:$0x1F000] =	vst v63  }
0x30f: {  	s0 =	simm.s32 @!p0 $0x5  }
0x310: {  	_ =	swait.ge @!p0 [sflag:s0], $0x5000  }
0x311: {  	s28 =	sadd.s32 $0x1, s28;
	s31 =	rddreg [dreg:$0x9]  }
0x312: {  	p1 =	sne.s32 s28, s31  }
.Ltmp6:
0x313: {  	_ = 	snop;
	(pc) =	sbr.rel @p1 .LBB2_1-.Ltmp6, $3  }
0x314: {  	_ =	sdelay $0x1  }
0x315: {  	[sflag:s0] =	ssyncset.done @!p0 $0x0  }
0x316: {  	[sflag:s0] =	ssyncadd.s32 @!p0 $0xFFFFB000  }
0x317: {  	_ =	sfence.sel $0x180000  }
0x318: {  	[bflag:$0x0] =	sbarrier.arrive $0xFFFF  }
0x319: {  	_ =	strace $0x9000004A  }
0x31a: {  	s0 =	stileid.u32;
	[bflag:$0x2] =	sbarrier.arrive $0xFFFF  }
0x31b: {  	p0 =	sne.s32 s0, $0x0;
	s0 =	rddreg [dreg:$0x2]  }
0x31c: {  	s0 =	sadd.s32 @!p0 $0x100000, s0  }
0x31d: {  	[sflag:s0] =	ssyncadd.tile.s32 @!p0 $0x1;
	_ =	shalt  }
.Lfunc_end2:
_tile_overlayer_lowered:
.L_overlay_start_2:
0x31e: {  	(tag) =	ssettag $0x2  }
0x31f: {  	s0 =	rddreg [dreg:$0x0];
	s2 =	stileid.u32  }
0x320: {  	s1 =	rddreg [dreg:$0x1];
	p0 =	sne.s32 s2, $0x0  }
0x321: {  	s3 =	rddreg [dreg:$0x2];
	[bflag:$0x3] =	sbarrier.arrive $0xFFFF;
	s2 =	simm.s32 @!p0 $0x1C05  }
0x322: {  	[timem:s3], [sflag:s2] =	dma.local @!p0 [hbm:s0], s1  }
0x323: {  	s0 =	simm.s32 @!p0 $0x5  }
0x324: {  	_ =	swait.ge @!p0 [sflag:s0], s1  }
0x325: {  	s1 =	ssub.s32 @!p0 $0x0, s1;
	[sflag:s0] =	ssyncset.done @!p0 $0x0  }
0x326: {  	[sflag:s0] =	ssyncadd.s32 @!p0 s1  }
0x327: {  	[bflag:$0x3] =	sbarrier.arrive $0xFFFF  }
0x328: {  	_ =	shalt  }

// kernel: sparse-core-data-format-call.cloned.1.call-start
scs
called_computation_lowered:
.L_overlay_start_0:
0x0: {  	s2 =	sld [smem:$0x3FD9]  }
0x1: {  	s3 =	sld [smem:$0x3FFE];
	_ =	sdelay $0x1  }
0x2: {  	s1 =	srdreg.scid  }
0x3: {  	s0 =	sand.u32 $0x1, s1  }
0x4: {  	s18 =	sshll.u32 s0, $0xA;
	s2 =	sadd.s32 s3, s2  }
0x5: {  	s2 =	sadd.s32 s2, s18  }
0x6: {  	[smem:$0x3FC4] =	sst s2  }
0x7: {  	_ = 	snop  }
0x8: {  	s2 =	sld [smem:$0x3FC9];
	(tm) =	ssettm $0x1  }
0x9: {  	s19 =	sld [smem:$0x3FFB];
	_ =	sdelay $0x3  }
0xa: {  	_ =	strace s19  }
0xb: {  	s3 =	sld [smem:$0x3FFC];
	_ =	sdelay $0x3  }
0xc: {  	_ =	strace s3  }
0xd: {  	s3 =	sld [smem:$0x3FFD];
	_ =	sdelay $0x3  }
0xe: {  	_ =	strace s3  }
0xf: {  	_ =	strace $0x8FFFFFFF  }
0x10: {  	s20 =	sld [smem:$0x3FDB];
	_ =	sdelay $0x1  }
0x11: {  	s4 =	simm.s32 $_scs_section_size  }
0x12: {  	s5 =	simm.s32 $_size__tile_overlayer_lowered;
	s6 =	simm.s32 $_tile_overlayer_lowered  }
0x13: {  	s23 =	simm.s32 $0x1BFF;
	s22 =	sshll.u32 s6, $0x1;
	s3 =	sadd.s32 s4, s20  }
0x14: {  	s7 =	simm.s32 $0x0;
	s21 =	sshll.u32 s5, $0x1;
	s5 =	sadd.s32 s22, s3  }
0x15: {  	[timem:s7], [sflag:s23] =	dma.local [hbm:s5], s21  }
0x16: {  	_ =	swait.ge [sflag:s23], s21  }
0x17: {  	s4 =	ssub.s32 $0x0, s21;
	[sflag:s23] =	ssyncset.done $0x0  }
0x18: {  	[sflag:s23] =	ssyncadd.s32 s4;
	_ =	sdelay $0x1  }
0x19: {  	s24 =	simm.s32 $0x1B8B  }
0x1a: {  	_ =	swait.ge [sflag:s24], $0x1  }
0x1b: {  	[sflag:s24] =	ssyncset.done $0x0  }
0x1c: {  	s26 =	simm.s32 $0x1B8E;
	s25 =	sld [smem:$0x3FFE];
	[sflag:s24] =	ssyncadd.s32 $0xFFFFFFFF  }
0x1d: {  	s27 =	simm.s32 $execute0_lowered;
	[smem:$0x3FD2] =	sst s26  }
0x1e: {  	s5 =	sshll.u32 s27, $0x1;
	_ =	strace $0x80000046;
	[dreg:$0x1] =	wrdreg $0xFFFFFFFF  }
0x1f: {  	s28 =	simm.s32 $_size_execute0_lowered;
	s3 =	sadd.s32 s3, s5;
	[dreg:$0x0] =	wrdreg $0x0  }
0x20: {  	s5 =	sshll.u32 s28, $0x1;
	[dreg:$0x2] =	wrdreg s3  }
0x21: {  	[dreg:$0x3] =	wrdreg s5  }
0x22: {  	[dreg:$0x4] =	wrdreg $0xC0  }
0x23: {  	_ =	task [dreg:s7], $0x5FFFF  }
0x24: {  	[dreg:$0x1] =	wrdreg $0xFFFFFFFF  }
0x25: {  	[dreg:$0x0] =	wrdreg $0x60  }
0x26: {  	[dreg:$0x2] =	wrdreg s2  }
0x27: {  	[dreg:$0x3] =	wrdreg s25  }
0x28: {  	[dreg:$0x4] =	wrdreg $0x9  }
0x29: {  	_ =	task.clear_ibuf [dreg:s7], $0x5FFFF;
	_ =	strace $0x90000046  }
0x2a: {  	s29 =	simm.s32 $0x9;
	_ =	strace $0x80000048  }
0x2b: {  	_ =	swait.ge [sflag:s29], $0x1  }
0x2c: {  	[sflag:s29] =	ssyncadd.s32 $0xFFFFFFFF  }
0x2d: {  	_ =	strace $0x90000048  }
0x2e: {  	_ =	sfence  }
0x2f: {  	s30 =	sld [smem:$0x0];
	_ =	sdelay $0x2  }
0x30: {  	s31 =	sshll.u32 s1, $0xD;
	s1 =	sshrl.u32 s1, $0x2  }
0x31: {  	s3 =	sand.u32 $0x4000, s31;
	s1 =	sadd.s32 s1, s30  }
0x32: {  	s0 =	sor.u32 s3, s0;
	s1 =	sshll.u32 s1, $0x11  }
0x33: {  	s0 =	sor.u32 s1, s0  }
0x34: {  	s0 =	sadd.s32 $0x8F2B, s0  }
0x35: {  	[sflag:s0] =	ssyncadd.remote.s32 $0x1  }
0x36: {  	_ =	sfence.sel $0xFFFF  }
0x37: {  	[dreg:$0x0] =	wrdreg $0xFFFFFFFF;
	(pc) =	sbr.abs _section_cstart, $3  }
0x38: {  	[dreg:$0x1] =	wrdreg $0xFFFFFFFF  }
0x39: {  	_ =	task.clear_ibuf [dreg:s7], $0x2FFFF;
	_ =	strace $0x9FFFFFFF  }
0x3a: {  	(tm) =	ssettm $0x7FFFFFFF  }
0x3b: {  	_ =	shalt  }
tec
execute0_lowered:
.L_overlay_start_1:
0x0: {  	(tag) =	ssettag $0x1  }
0x1: {  	s0 =	srdreg.scid  }
0x2: {  	s1 =	sshll.u32 s0, $0x4  }
0x3: {  	s2 =	rddreg [dreg:$0x0];
	s0 =	stileid.u32;
	s1 =	sand.u32 $0x10, s1  }
0x4: {  	s4 =	rddreg [dreg:$0x1];
	s7 =	simm.s32 $0x1;
	s1 =	sor.u32 s0, s1  }
0x5: {  	s8 =	simm.s32 $0x2;
	s9 =	simm.s32 $0x0;
	s3 =	sshll.u32 s1, $0x3  }
0x6: {  	s12 =	simm.s32 $0x0;
	s11 =	simm.s32 $0x0;
	s6 =	ssub.s32 $0x2000, s3  }
.Ltmp0:
0x7: {  	s4 =	sadd.s32 $0x1200, s4;
	s5 =	sand.u32 $0xF8, s6;
	(pc) =	sbr.rel .LBB1_1-.Ltmp0, $4  }
0x8: {  	s1 =	rddreg [dreg:$0x2];
	_ =	strace $0x80000047;
	p0 =	sne.s32 s5, $0x0  }
0x9: {  	s6 =	sshrl.u32 s6, $0x8;
	s5 =	simm.s32 $0x1;
	s7 =	simm.s32 @!p0 $0x0  }
0xa: {  	s10 =	smov.u32 s3;
	[sflag:s5] =	ssyncpa.u1 $0x0;
	s6 =	sadd.s32 s7, s6  }
0xb: {  	[sflag:s8] =	ssyncpa.u1 $0x0;
	s8 =	simm.s32 $0x0;
	s7 =	sadd.s32 $0x1, s6  }
.LBB1_9:
0xc: {  	s14 =	sadd.s32 $0x100, s10  }
0xd: {  	p1 =	sgt.s32 s14, $0x1FFF  }
0xe: {  	s14 =	smov.u32 @p1 s3;
	p1 =	sne.s32 s11, s7  }
.Ltmp1:
0xf: {  	p0 =	slt.u32 s11, $0x2;
	(pc) =	sbr.rel @!p1 .LBB1_10-.Ltmp1, $4  }
0x10: {  	s13 =	simm.s32 @!p0 $0x2  }
0x11: {  	s15 =	sadd.s32 $0x1, s11;
	_ =	swait.ge @!p0 [sflag:s13], $0x4000  }
0x12: {  	s12 =	smov.u32 s10;
	s9 =	sadd.s32 $0x4000, s9;
	[sflag:s13] =	ssyncset.done @!p0 $0x0  }
0x13: {  	s11 =	smov.u32 s15;
	s10 =	smov.u32 s14;
	[sflag:s13] =	ssyncadd.s32 @!p0 $0xFFFFC000  }
.LBB1_1:
0x14: {  	p0 =	sge.u32 s11, s6  }
0x15: {  	s13 =	sxor.u32 @!p0 $0xFFFFFFFF, s11  }
0x16: {  	s31 =	sadd.s32 $0xFFFFFFFF, s11;
	s14 =	sshll.u32 @!p0 s10, $0x8;
	s13 =	sshll.u32 @!p0 s13, $0xE  }
0x17: {  	s15 =	simm.s32 @!p0 $0x0;
	s14 =	sadd.s32 @!p0 s2, s14;
	s13 =	sand.u32 @!p0 $0x4000, s13  }
0x18: {  	[tilespmem:s13], [sflag:$0x1] =	stream.linear.gather @!p0 [hbm4b:s14+s15], $0x4000, $0x38;
	[tilespmem:$0x10000] =	vst v63  }
0x19: {  	p0 =	sge.u32 s31, s6  }
.Ltmp2:
0x1a: {  	_ = 	snop;
	(pc) =	sbr.rel @p0 .LBB1_9-.Ltmp2, $1  }
0x1b: {  	_ =	sdelay $0x3  }
0x1c: {  	s13 =	sshll.u32 s9, $0x2;
	_ =	swait.ge [sflag:s5], $0x4000;
	s14 =	sshll.u32 s11, $0xE  }
0x1d: {  	s16 =	simm.s32 $0x0;
	s17 =	simm.s32 $0x0;
	s15 =	sand.u32 $0x10000, s13  }
0x1e: {  	[sflag:s5] =	ssyncset.done $0x0;
	s31 =	sand.u32 $0x4000, s14;
	s14 =	sshrl.u32 s15, $0x2  }
0x1f: {  	[sflag:s5] =	ssyncadd.s32 $0xFFFFC000;
	s13 =	sor.u32 $0x8000, s31;
	s15 =	sor.u32 $0x8000, s14  }
.LBB1_3:
0x20: {  	s18 =	sshra.s32 s16, $0x2  }
0x21: {  	v0 =	vmov s18;
	_ =	sdelay $0x3  }
0x22: {  	p1 =	por $0x1, $0x1;
	s18 =	simm.s32 $0x0  }
.LBB1_4:
0x23: {  	_ = 	snop  }
0x24: {  	s19 =	sshll.u32 s18, $0xA  }
0x25: {  	s19 =	sand.u32 $0x3FFFFC00, s19  }
0x26: {  	s19 =	sadd.s32 s19, s14  }
0x27: {  	v5 =	vld.idx.msk [tilespmem:v0+s19+$0x70 ss:$0x1], $0xffff  }
0x28: {  	v6 =	vld.idx.msk [tilespmem:v0+s19+$0x10 ss:$0x1], $0xffff  }
0x29: {  	v7 =	vld.idx.msk [tilespmem:v0+s19+$0x20 ss:$0x1], $0xffff  }
0x2a: {  	s31 =	sshll.u32 s18, $0x7;
	v1 =	vld.idx.msk [tilespmem:v0+s19+$0x30 ss:$0x1], $0xffff  }
0x2b: {  	s18 =	sand.u32 $0x3FFFFF80, s31;
	v2 =	vld.idx.msk [tilespmem:v0+s19+$0x40 ss:$0x1], $0xffff  }
0x2c: {  	s18 =	sadd.s32 s18, s15;
	v3 =	vld.idx.msk [tilespmem:v0+s19+$0x50 ss:$0x1], $0xffff  }
0x2d: {  	v4 =	vld.idx.msk [tilespmem:v0+s19+$0x60 ss:$0x1], $0xffff;
	[tilespmem:v0+s18+$0x70 ss:$0x1] =	vst.idx.msk $0xffff, v5  }
0x2e: {  	v5 =	vld.idx.msk [tilespmem:v0+s19+$0x0 ss:$0x1], $0xffff;
	[tilespmem:v0+s18+$0x10 ss:$0x1] =	vst.idx.msk $0xffff, v6;
	s19 =	sadd.s32 $0x80, s19  }
0x2f: {  	p0 =	por p1, p1;
	s20 =	simm.s32 $0x6;
	[tilespmem:v0+s18+$0x20 ss:$0x1] =	vst.idx.msk $0xffff, v7;
	v6 =	vld.idx.msk [tilespmem:v0+s19+$0x70 ss:$0x1], $0xffff  }
.LBB1_5:
0x30: {  	p1 =	sne.s32 s20, $0x1;
	v7 =	vld.idx.msk [tilespmem:v0+s19+$0x10 ss:$0x1], $0xffff;
	[tilespmem:v0+s18+$0x30 ss:$0x1] =	vst.idx.msk $0xffff, v1  }
0x31: {  	v8 =	vld.idx.msk [tilespmem:v0+s19+$0x20 ss:$0x1], $0xffff;
	[tilespmem:v0+s18+$0x40 ss:$0x1] =	vst.idx.msk $0xffff, v2  }
0x32: {  	v1 =	vld.idx.msk [tilespmem:v0+s19+$0x30 ss:$0x1], $0xffff;
	[tilespmem:v0+s18+$0x50 ss:$0x1] =	vst.idx.msk $0xffff, v3  }
.Ltmp3:
0x33: {  	v2 =	vld.idx.msk [tilespmem:v0+s19+$0x40 ss:$0x1], $0xffff;
	[tilespmem:v0+s18+$0x60 ss:$0x1] =	vst.idx.msk $0xffff, v4;
	(pc) =	sbr.rel @p1 .LBB1_5-.Ltmp3, $4  }
0x34: {  	v3 =	vld.idx.msk [tilespmem:v0+s19+$0x50 ss:$0x1], $0xffff;
	[tilespmem:v0+s18+$0x0 ss:$0x1] =	vst.idx.msk $0xffff, v5;
	s18 =	sadd.s32 $0x100, s18  }
0x35: {  	v4 =	vld.idx.msk [tilespmem:v0+s19+$0x60 ss:$0x1], $0xffff;
	[tilespmem:v0+s18+$0x70 ss:$0x1] =	vst.idx.msk $0xffff, v6  }
0x36: {  	v5 =	vld.idx.msk [tilespmem:v0+s19+$0x0 ss:$0x1], $0xffff;
	[tilespmem:v0+s18+$0x10 ss:$0x1] =	vst.idx.msk $0xffff, v7;
	s19 =	sadd.s32 $0x80, s19  }
0x37: {  	s20 =	sadd.s32 $0xFFFFFFFF, s20;
	v6 =	vld.idx.msk [tilespmem:v0+s19+$0x70 ss:$0x1], $0xffff;
	[tilespmem:v0+s18+$0x20 ss:$0x1] =	vst.idx.msk $0xffff, v8  }
0x38: {  	_ =	sdelay $0x3  }
0x39: {  	[tilespmem:v0+s18+$0x30 ss:$0x1] =	vst.idx.msk $0xffff, v1  }
0x3a: {  	v1 =	vld.idx.msk [tilespmem:v0+s19+$0x10 ss:$0x1], $0xffff;
	[tilespmem:v0+s18+$0x40 ss:$0x1] =	vst.idx.msk $0xffff, v2  }
0x3b: {  	v2 =	vld.idx.msk [tilespmem:v0+s19+$0x20 ss:$0x1], $0xffff;
	[tilespmem:v0+s18+$0x50 ss:$0x1] =	vst.idx.msk $0xffff, v3  }
0x3c: {  	v61 =	vld.idx.msk [tilespmem:v0+s19+$0x40 ss:$0x1], $0xffff;
	[tilespmem:v0+s18+$0x60 ss:$0x1] =	vst.idx.msk $0xffff, v4  }
0x3d: {  	s31 =	sadd.s32 $0x100, s18;
	v62 =	vld.idx.msk [tilespmem:v0+s19+$0x50 ss:$0x1], $0xffff;
	[tilespmem:v0+s18+$0x0 ss:$0x1] =	vst.idx.msk $0xffff, v5  }
0x3e: {  	v63 =	vld.idx.msk [tilespmem:v0+s19+$0x60 ss:$0x1], $0xffff;
	[tilespmem:v0+s31+$0x70 ss:$0x1] =	vst.idx.msk $0xffff, v6  }
0x3f: {  	v3 =	vld.idx.msk [tilespmem:v0+s19+$0x30 ss:$0x1], $0xffff;
	[tilespmem:v0+s31+$0x10 ss:$0x1] =	vst.idx.msk $0xffff, v1  }
0x40: {  	v1 =	vld.idx.msk [tilespmem:v0+s19+$0x0 ss:$0x1], $0xffff;
	[tilespmem:v0+s31+$0x20 ss:$0x1] =	vst.idx.msk $0xffff, v2  }
.Ltmp4:
0x41: {  	[tilespmem:v0+s31+$0x40 ss:$0x1] =	vst.idx.msk $0xffff, v61;
	(pc) =	sbr.rel @p0 .LBB1_4-.Ltmp4, $4  }
0x42: {  	[tilespmem:v0+s31+$0x50 ss:$0x1] =	vst.idx.msk $0xffff, v62  }
0x43: {  	[tilespmem:v0+s31+$0x60 ss:$0x1] =	vst.idx.msk $0xffff, v63  }
0x44: {  	[tilespmem:v0+s31+$0x30 ss:$0x1] =	vst.idx.msk $0xffff, v3  }
0x45: {  	p1 =	por $0x0, $0x0;
	s18 =	simm.s32 $0x1;
	[tilespmem:v0+s31+$0x0 ss:$0x1] =	vst.idx.msk $0xffff, v1  }
0x46: {  	s17 =	sadd.s32 $0x1, s17  }
0x47: {  	p0 =	sne.s32 s17, $0x8  }
.Ltmp5:
0x48: {  	_ = 	snop;
	(pc) =	sbr.rel @p0 .LBB1_3-.Ltmp5, $2  }
0x49: {  	_ =	sdelay $0x2  }
0x4a: {  	s16 =	sadd.s32 $0x2000, s16  }
.Ltmp6:
0x4b: {  	(pc) =	sbr.rel .LBB1_9-.Ltmp6, $4  }
0x4c: {  	_ = 	snop  }
0x4d: {  	s12 =	sshll.u32 s12, $0x8  }
0x4e: {  	s12 =	sadd.s32 s4, s12  }
0x4f: {  	[hbm4b:s12+s8] =	stream.linear.scatter [tilespmem:s13], [sflag:$0x2], $0x4000, $0x38;
	[tilespmem:$0x10000] =	vst v63  }
.LBB1_10:
0x50: {  	_ =	sfence.sel $0x180000  }
0x51: {  	s2 =	simm.s32 $0x1;
	[bflag:$0x0] =	sbarrier.arrive $0xFFFF  }
0x52: {  	s31 =	simm.s32 $0x2;
	[sflag:s2] =	ssyncpa.u1 $0x1  }
0x53: {  	[sflag:s31] =	ssyncpa.u1 $0x1  }
0x54: {  	p0 =	sne.s32 s0, $0x0;
	_ =	strace $0x90000047  }
0x55: {  	s0 =	sadd.s32 @!p0 $0x100000, s1;
	[bflag:$0x2] =	sbarrier.arrive $0xFFFF  }
0x56: {  	[sflag:s0] =	ssyncadd.tile.s32 @!p0 $0x1;
	_ =	shalt  }
.Lfunc_end1:
_tile_overlayer_lowered:
.L_overlay_start_2:
0x57: {  	(tag) =	ssettag $0x2  }
0x58: {  	s0 =	rddreg [dreg:$0x0];
	s2 =	stileid.u32  }
0x59: {  	s1 =	rddreg [dreg:$0x1];
	p0 =	sne.s32 s2, $0x0  }
0x5a: {  	s3 =	rddreg [dreg:$0x2];
	[bflag:$0x3] =	sbarrier.arrive $0xFFFF;
	s2 =	simm.s32 @!p0 $0x1C01  }
0x5b: {  	[timem:s3], [sflag:s2] =	dma.local @!p0 [hbm:s0], s1  }
0x5c: {  	s0 =	simm.s32 @!p0 $0x1  }
0x5d: {  	_ =	swait.ge @!p0 [sflag:s0], s1  }
0x5e: {  	s1 =	ssub.s32 @!p0 $0x0, s1;
	[sflag:s0] =	ssyncset.done @!p0 $0x0  }
0x5f: {  	[sflag:s0] =	ssyncadd.s32 @!p0 s1  }
0x60: {  	[bflag:$0x3] =	sbarrier.arrive $0xFFFF  }
0x61: {  	_ =	shalt  }

</sc_bundles>
